<compile_context>
chip_gen: v7x
topology: tpu7x:2x2x1
jax: 0.10.2.dev20260603
libtpu: 0.0.44.dev20260713+nightly
codegen_flags: <defaults>
</compile_context>

<pallas_src>
import functools

import jax
import jax.numpy as jnp
from jax import lax
from jax.experimental import pallas as pl
from jax.experimental.pallas import tpu as pltpu
from jax.experimental.pallas import tpu_sc as plsc

EMBED = 64
CHUNK = 128


@functools.lru_cache(maxsize=None)
def _make_gather(n_total: int, vocab: int):
    info = plsc.get_sparse_core_info()
    nc, ns = info.num_cores, info.num_subcores
    nw = nc * ns
    assert n_total % (nw * 2 * CHUNK) == 0
    per_w = n_total // nw
    n_chunks = per_w // CHUNK

    mesh = plsc.VectorSubcoreMesh(core_axis_name="c", subcore_axis_name="s")

    @functools.partial(
        pl.kernel,
        mesh=mesh,
        compiler_params=pltpu.CompilerParams(
            use_tc_tiling_on_sc=False, needs_layout_passes=False),
        out_type=jax.ShapeDtypeStruct((n_total, EMBED), jnp.float32),
        scratch_types=[
            pltpu.VMEM((n_chunks, CHUNK), jnp.int32),
            pltpu.VMEM((4, CHUNK, 2 * EMBED), jnp.float32),
            pltpu.SemaphoreType.DMA,
            pltpu.SemaphoreType.DMA,
        ],
    )
    def gather_kernel(ids_hbm, tpad_hbm, out_hbm, idx_v, rows_v, gsem, osem):
        wid = lax.axis_index("s") * nc + lax.axis_index("c")
        pltpu.sync_copy(ids_hbm.at[wid], idx_v)
        base = wid * per_w

        def gath(c, k):
            pltpu.async_copy(tpad_hbm.at[idx_v.at[c]], rows_v.at[k], gsem)

        def wait_gath(c, k):
            pltpu.make_async_copy(
                tpad_hbm.at[idx_v.at[c]], rows_v.at[k], gsem).wait()

        def write(c, k):
            pltpu.async_copy(rows_v.at[k].at[:, pl.ds(0, EMBED)],
                             out_hbm.at[pl.ds(base + c * CHUNK, CHUNK)], osem)

        def wait_write(c, k):
            pltpu.make_async_copy(
                rows_v.at[k].at[:, pl.ds(0, EMBED)],
                out_hbm.at[pl.ds(base + c * CHUNK, CHUNK)], osem).wait()

        def step(c, k):
            wait_gath(c, k)
            write(c, k)

            @pl.when(c >= 2)
            def _drain():
                wait_write(c - 2, (k + 2) % 4)

            @pl.when(c + 2 < n_chunks)
            def _prefetch():
                gath(c + 2, (k + 2) % 4)

        gath(0, 0)
        gath(1, 1)

        def quad_body(g, carry):
            for k in range(4):
                step(4 * g + k, k)
            return carry

        n_main = n_chunks - n_chunks % 4
        lax.fori_loop(0, n_main // 4, quad_body, 0)
        for c in range(n_main, n_chunks):
            wait_gath(c, c % 4)
            write(c, c % 4)
            wait_write(c - 2, (c - 2) % 4)
        for c in range(n_chunks - 2, n_chunks):
            wait_write(c, c % 4)

    return gather_kernel


def kernel(input_ids, embedding_table):
    b, h = input_ids.shape
    n = b * h
    v = embedding_table.shape[0]
    info = plsc.get_sparse_core_info()
    nw = info.num_cores * info.num_subcores
    per_w = n // nw
    ids3 = input_ids.reshape(nw, per_w // CHUNK, CHUNK).astype(jnp.int32)
    tpad = jnp.pad(embedding_table, ((0, 0), (0, 2 * EMBED - EMBED)))
    out = _make_gather(n, v)(ids3, tpad)
    return out.reshape(b, h, EMBED), embedding_table

# --- scband reference (transcript-rebuilt; emitter-appended) ---
"""Pipeline reference for scband-wdembedding-26903675142354 (READ-ONLY COPY).

The authoritative reference and input builder live on the scoring server;
editing this copy changes nothing except your own understanding.
"""

import jax, jax.numpy as jnp
import numpy as np

VOCAB = 1000000
EMBED = 64
BATCH = 4096
HIST = 50

def setup_inputs(seed: int = 0) -> dict:
    key = jax.random.key(seed)
    k1, k2 = jax.random.split(key)
    input_ids = jax.random.randint(k1, (BATCH, HIST), 0, VOCAB)
    embedding_table = jax.random.normal(k2, (VOCAB, EMBED), dtype=jnp.float32) * 0.02
    return {"input_ids": input_ids, "embedding_table": embedding_table}

def reference(input_ids, embedding_table):
    # TF: if ndims == 2, expand to [B, L, 1]
    ids = input_ids[..., None]
    flat_input_ids = ids.reshape(-1)
    # use_one_hot_embedding=False path: gather
    output = jnp.take(embedding_table, flat_input_ids, axis=0)
    # reshape to input_shape[:-1] + [last_dim * embedding_size] = [B, L, 1*EMBED]
    out_shape = ids.shape[:-1] + (ids.shape[-1] * embedding_table.shape[1],)
    output = output.reshape(out_shape)
    return (output, embedding_table)

if __name__ == "__main__":
    import jax
    _d = setup_inputs()
    print(jax.jit(kernel)(*tuple(_d.values())))

</pallas_src>

<mosaic_0001>
#map = affine_map<(d0, d1) -> (0, 0, 0)>
#map1 = affine_map<(d0, d1) -> (0, 0)>
module attributes {stable_mosaic.version = 14 : i64} {
  func.func @gather_kernel(%arg0: i32, %arg1: i32, %arg2: memref<32x50x128xi32, #tpu.memory_space<hbm>>, %arg3: memref<1000000x128xf32, #tpu.memory_space<hbm>>, %arg4: memref<204800x64xf32, #tpu.memory_space<hbm>>, %arg5: memref<50x128xi32, #tpu.memory_space<vmem>>, %arg6: memref<4x128x128xf32, #tpu.memory_space<vmem>>, %arg7: memref<!tpu.dma_semaphore, #tpu.memory_space<semaphore_mem>>, %arg8: memref<!tpu.dma_semaphore, #tpu.memory_space<semaphore_mem>>) attributes {dimension_semantics = [#tpu.dimension_semantics<core_parallel>, #tpu.dimension_semantics<subcore_parallel>], iteration_bounds = array<i64: 2, 16>, scalar_prefetch = 0 : i64, scratch_operands = 4 : i64, tpu.core_type = #tpu.core_type<sc_vector_subcore>, window_params = [{transform_indices = #map}, {transform_indices = #map1}, {transform_indices = #map1}]} {
    %mul3A = arith.constant 2 : i32
    %mul3A_0 = arith.muli %arg1, %mul3A : i32
    %add3A = arith.addi %mul3A_0, %arg0 : i32
    "tpu.region"() ({
      %run_scoped3A = tpu.sem_alloc : memref<!tpu.dma_semaphore, #tpu.memory_space<semaphore_mem>>
      %dma_start3A_180 = arith.constant 0 : i32
      %dma_start3A_181 = arith.constant 0 : i32
      %dma_start3A_182 = tpu.memref_slice %arg2[%add3A, %dma_start3A_180, %dma_start3A_181] : memref<32x50x128xi32, #tpu.memory_space<hbm>> -> memref<1x50x128xi32, #tpu.memory_space<hbm>>
      %dma_start3A_183 = tpu.memref_squeeze %dma_start3A_182 : memref<1x50x128xi32, #tpu.memory_space<hbm>> -> memref<50x128xi32, #tpu.memory_space<hbm>>
      %dma_start3A_184 = arith.constant 0 : i32
      %dma_start3A_185 = arith.constant 0 : i32
      %dma_start3A_186 = tpu.memref_slice %arg2[%add3A, %dma_start3A_184, %dma_start3A_185] : memref<32x50x128xi32, #tpu.memory_space<hbm>> -> memref<1x50x128xi32, #tpu.memory_space<hbm>>
      %dma_start3A_187 = tpu.memref_squeeze %dma_start3A_186 : memref<1x50x128xi32, #tpu.memory_space<hbm>> -> memref<50x128xi32, #tpu.memory_space<hbm>>
      tpu.enqueue_dma source(%dma_start3A_187 : memref<50x128xi32, #tpu.memory_space<hbm>>) target(%arg5 : memref<50x128xi32, #tpu.memory_space<vmem>>) target_semaphore(%run_scoped3A : memref<!tpu.dma_semaphore, #tpu.memory_space<semaphore_mem>>)
      %dma_wait3A_188 = arith.constant 0 : i32
      %dma_wait3A_189 = arith.constant 0 : i32
      %dma_wait3A_190 = tpu.memref_slice %arg2[%add3A, %dma_wait3A_188, %dma_wait3A_189] : memref<32x50x128xi32, #tpu.memory_space<hbm>> -> memref<1x50x128xi32, #tpu.memory_space<hbm>>
      %dma_wait3A_191 = tpu.memref_squeeze %dma_wait3A_190 : memref<1x50x128xi32, #tpu.memory_space<hbm>> -> memref<50x128xi32, #tpu.memory_space<hbm>>
      %dma_wait3A_192 = arith.constant 0 : i32
      %dma_wait3A_193 = arith.constant 0 : i32
      %dma_wait3A_194 = tpu.memref_slice %arg2[%add3A, %dma_wait3A_192, %dma_wait3A_193] : memref<32x50x128xi32, #tpu.memory_space<hbm>> -> memref<1x50x128xi32, #tpu.memory_space<hbm>>
      %dma_wait3A_195 = tpu.memref_squeeze %dma_wait3A_194 : memref<1x50x128xi32, #tpu.memory_space<hbm>> -> memref<50x128xi32, #tpu.memory_space<hbm>>
      tpu.wait_dma2 semaphore(%run_scoped3A : memref<!tpu.dma_semaphore, #tpu.memory_space<semaphore_mem>>) src(%dma_wait3A_195 : memref<50x128xi32, #tpu.memory_space<hbm>>) dst(%arg5 : memref<50x128xi32, #tpu.memory_space<vmem>>)
      tpu.yield
    }) : () -> ()
    %mul3A_1 = arith.constant 6400 : i32
    %mul3A_2 = arith.muli %add3A, %mul3A_1 : i32
    %dma_start3A = arith.constant 0 : i32
    %dma_start3A_3 = arith.constant 0 : i32
    %dma_start3A_4 = arith.constant 0 : i32
    %dma_start3A_5 = arith.constant 0 : i32
    %dma_start3A_6 = tpu.memref_slice %arg6[%dma_start3A_3, %dma_start3A_4, %dma_start3A_5] : memref<4x128x128xf32, #tpu.memory_space<vmem>> -> memref<1x128x128xf32, #tpu.memory_space<vmem>>
    %dma_start3A_7 = tpu.memref_squeeze %dma_start3A_6 : memref<1x128x128xf32, #tpu.memory_space<vmem>> -> memref<128x128xf32, #tpu.memory_space<vmem>>
    %dma_start3A_8 = arith.constant 0 : i32
    %dma_start3A_9 = tpu.memref_slice %arg5[%dma_start3A, %dma_start3A_8] : memref<50x128xi32, #tpu.memory_space<vmem>> -> memref<1x128xi32, #tpu.memory_space<vmem>>
    %dma_start3A_10 = tpu.memref_squeeze %dma_start3A_9 : memref<1x128xi32, #tpu.memory_space<vmem>> -> memref<128xi32, #tpu.memory_space<vmem>>
    %dma_start3A_11 = arith.constant 0 : i32
    %dma_start3A_12 = arith.constant 0 : i32
    %dma_start3A_13 = tpu.memref_slice %arg3[%dma_start3A_11, %dma_start3A_12] : memref<1000000x128xf32, #tpu.memory_space<hbm>> -> memref<1000000x128xf32, #tpu.memory_space<hbm>>
    tpu.enqueue_indirect_dma source(%dma_start3A_13 : memref<1000000x128xf32, #tpu.memory_space<hbm>>) target(%dma_start3A_7 : memref<128x128xf32, #tpu.memory_space<vmem>>) offsets(%dma_start3A_10 : memref<128xi32, #tpu.memory_space<vmem>>) semaphore(%arg7 : memref<!tpu.dma_semaphore, #tpu.memory_space<semaphore_mem>>)
    %dma_start3A_14 = arith.constant 1 : i32
    %dma_start3A_15 = arith.constant 1 : i32
    %dma_start3A_16 = arith.constant 0 : i32
    %dma_start3A_17 = arith.constant 0 : i32
    %dma_start3A_18 = tpu.memref_slice %arg6[%dma_start3A_15, %dma_start3A_16, %dma_start3A_17] : memref<4x128x128xf32, #tpu.memory_space<vmem>> -> memref<1x128x128xf32, #tpu.memory_space<vmem>>
    %dma_start3A_19 = tpu.memref_squeeze %dma_start3A_18 : memref<1x128x128xf32, #tpu.memory_space<vmem>> -> memref<128x128xf32, #tpu.memory_space<vmem>>
    %dma_start3A_20 = arith.constant 0 : i32
    %dma_start3A_21 = tpu.memref_slice %arg5[%dma_start3A_14, %dma_start3A_20] : memref<50x128xi32, #tpu.memory_space<vmem>> -> memref<1x128xi32, #tpu.memory_space<vmem>>
    %dma_start3A_22 = tpu.memref_squeeze %dma_start3A_21 : memref<1x128xi32, #tpu.memory_space<vmem>> -> memref<128xi32, #tpu.memory_space<vmem>>
    %dma_start3A_23 = arith.constant 0 : i32
    %dma_start3A_24 = arith.constant 0 : i32
    %dma_start3A_25 = tpu.memref_slice %arg3[%dma_start3A_23, %dma_start3A_24] : memref<1000000x128xf32, #tpu.memory_space<hbm>> -> memref<1000000x128xf32, #tpu.memory_space<hbm>>
    tpu.enqueue_indirect_dma source(%dma_start3A_25 : memref<1000000x128xf32, #tpu.memory_space<hbm>>) target(%dma_start3A_19 : memref<128x128xf32, #tpu.memory_space<vmem>>) offsets(%dma_start3A_22 : memref<128xi32, #tpu.memory_space<vmem>>) semaphore(%arg7 : memref<!tpu.dma_semaphore, #tpu.memory_space<semaphore_mem>>)
    %scan3A = arith.constant 0 : i32
    %scan3A_26 = arith.constant 0 : i32
    %scan3A_27 = arith.constant 12 : i32
    %scan3A_28 = arith.addi %scan3A_26, %scan3A_27 : i32
    %scan3A_29 = arith.constant 1 : i32
    scf.for %scan3A_180 = %scan3A_26 to %scan3A_28 step %scan3A_29  : i32 {
      %mul3A_181 = arith.constant 4 : i32
      %mul3A_182 = arith.muli %mul3A_181, %scan3A_180 : i32
      %add3A_183 = arith.constant 0 : i32
      %add3A_184 = arith.addi %mul3A_182, %add3A_183 : i32
      %dma_wait3A_185 = arith.constant 0 : i32
      %dma_wait3A_186 = arith.constant 0 : i32
      %dma_wait3A_187 = arith.constant 0 : i32
      %dma_wait3A_188 = tpu.memref_slice %arg6[%dma_wait3A_185, %dma_wait3A_186, %dma_wait3A_187] : memref<4x128x128xf32, #tpu.memory_space<vmem>> -> memref<1x128x128xf32, #tpu.memory_space<vmem>>
      %dma_wait3A_189 = tpu.memref_squeeze %dma_wait3A_188 : memref<1x128x128xf32, #tpu.memory_space<vmem>> -> memref<128x128xf32, #tpu.memory_space<vmem>>
      %dma_wait3A_190 = arith.constant 0 : i32
      %dma_wait3A_191 = tpu.memref_slice %arg5[%add3A_184, %dma_wait3A_190] : memref<50x128xi32, #tpu.memory_space<vmem>> -> memref<1x128xi32, #tpu.memory_space<vmem>>
      %dma_wait3A_192 = tpu.memref_squeeze %dma_wait3A_191 : memref<1x128xi32, #tpu.memory_space<vmem>> -> memref<128xi32, #tpu.memory_space<vmem>>
      %dma_wait3A_193 = arith.constant 0 : i32
      %dma_wait3A_194 = arith.constant 0 : i32
      %dma_wait3A_195 = tpu.memref_slice %arg3[%dma_wait3A_193, %dma_wait3A_194] : memref<1000000x128xf32, #tpu.memory_space<hbm>> -> memref<1000000x128xf32, #tpu.memory_space<hbm>>
      tpu.wait_indirect_dma semaphore(%arg7 : memref<!tpu.dma_semaphore, #tpu.memory_space<semaphore_mem>>) src(%dma_wait3A_195 : memref<1000000x128xf32, #tpu.memory_space<hbm>>) dst(%dma_wait3A_189 : memref<128x128xf32, #tpu.memory_space<vmem>>)
      %mul3A_196 = arith.constant 128 : i32
      %mul3A_197 = arith.muli %add3A_184, %mul3A_196 : i32
      %add3A_198 = arith.addi %mul3A_2, %mul3A_197 : i32
      %dma_start3A_199 = arith.constant 0 : i32
      %dma_start3A_200 = arith.constant 0 : i32
      %dma_start3A_201 = arith.constant 0 : i32
      %dma_start3A_202 = tpu.memref_slice %arg6[%dma_start3A_199, %dma_start3A_200, %dma_start3A_201] : memref<4x128x128xf32, #tpu.memory_space<vmem>> -> memref<1x128x128xf32, #tpu.memory_space<vmem>>
      %dma_start3A_203 = tpu.memref_squeeze %dma_start3A_202 : memref<1x128x128xf32, #tpu.memory_space<vmem>> -> memref<128x128xf32, #tpu.memory_space<vmem>>
      %dma_start3A_204 = arith.constant 0 : i32
      %dma_start3A_205 = arith.constant 0 : i32
      %dma_start3A_206 = tpu.memref_slice %dma_start3A_203[%dma_start3A_204, %dma_start3A_205] : memref<128x128xf32, #tpu.memory_space<vmem>> -> memref<128x64xf32, #tpu.memory_space<vmem>>
      %dma_start3A_207 = arith.constant 0 : i32
      %dma_start3A_208 = tpu.memref_slice %arg4[%add3A_198, %dma_start3A_207] : memref<204800x64xf32, #tpu.memory_space<hbm>> -> memref<128x64xf32, #tpu.memory_space<hbm>>
      %dma_start3A_209 = arith.constant 0 : i32
      %dma_start3A_210 = tpu.memref_slice %arg4[%add3A_198, %dma_start3A_209] : memref<204800x64xf32, #tpu.memory_space<hbm>> -> memref<128x64xf32, #tpu.memory_space<hbm>>
      %dma_start3A_211 = arith.constant 0 : i32
      %dma_start3A_212 = arith.constant 0 : i32
      %dma_start3A_213 = tpu.memref_slice %arg6[%dma_start3A_199, %dma_start3A_211, %dma_start3A_212] : memref<4x128x128xf32, #tpu.memory_space<vmem>> -> memref<1x128x128xf32, #tpu.memory_space<vmem>>
      %dma_start3A_214 = tpu.memref_squeeze %dma_start3A_213 : memref<1x128x128xf32, #tpu.memory_space<vmem>> -> memref<128x128xf32, #tpu.memory_space<vmem>>
      %dma_start3A_215 = arith.constant 0 : i32
      %dma_start3A_216 = arith.constant 0 : i32
      %dma_start3A_217 = tpu.memref_slice %dma_start3A_214[%dma_start3A_215, %dma_start3A_216] : memref<128x128xf32, #tpu.memory_space<vmem>> -> memref<128x64xf32, #tpu.memory_space<vmem>>
      tpu.enqueue_dma source(%dma_start3A_217 : memref<128x64xf32, #tpu.memory_space<vmem>>) target(%dma_start3A_210 : memref<128x64xf32, #tpu.memory_space<hbm>>) target_semaphore(%arg8 : memref<!tpu.dma_semaphore, #tpu.memory_space<semaphore_mem>>)
      %ge3A = arith.constant 2 : i32
      %ge3A_218 = arith.cmpi sge, %add3A_184, %ge3A : i32
      %convert_element_type3A = arith.extui %ge3A_218 : i1 to i32
      %cond3A = arith.constant 0 : i32
      %cond3A_219 = arith.cmpi ne, %convert_element_type3A, %cond3A : i32
      scf.if %cond3A_219 {
        %sub3A = arith.constant 2 : i32
        %sub3A_373 = arith.subi %add3A_184, %sub3A : i32
        %mul3A_374 = arith.constant 128 : i32
        %mul3A_375 = arith.muli %sub3A_373, %mul3A_374 : i32
        %add3A_376 = arith.addi %mul3A_2, %mul3A_375 : i32
        %dma_wait3A_377 = arith.constant 2 : i32
        %dma_wait3A_378 = arith.constant 0 : i32
        %dma_wait3A_379 = arith.constant 0 : i32
        %dma_wait3A_380 = tpu.memref_slice %arg6[%dma_wait3A_377, %dma_wait3A_378, %dma_wait3A_379] : memref<4x128x128xf32, #tpu.memory_space<vmem>> -> memref<1x128x128xf32, #tpu.memory_space<vmem>>
        %dma_wait3A_381 = tpu.memref_squeeze %dma_wait3A_380 : memref<1x128x128xf32, #tpu.memory_space<vmem>> -> memref<128x128xf32, #tpu.memory_space<vmem>>
        %dma_wait3A_382 = arith.constant 0 : i32
        %dma_wait3A_383 = arith.constant 0 : i32
        %dma_wait3A_384 = tpu.memref_slice %dma_wait3A_381[%dma_wait3A_382, %dma_wait3A_383] : memref<128x128xf32, #tpu.memory_space<vmem>> -> memref<128x64xf32, #tpu.memory_space<vmem>>
        %dma_wait3A_385 = arith.constant 0 : i32
        %dma_wait3A_386 = tpu.memref_slice %arg4[%add3A_376, %dma_wait3A_385] : memref<204800x64xf32, #tpu.memory_space<hbm>> -> memref<128x64xf32, #tpu.memory_space<hbm>>
        %dma_wait3A_387 = arith.constant 0 : i32
        %dma_wait3A_388 = tpu.memref_slice %arg4[%add3A_376, %dma_wait3A_387] : memref<204800x64xf32, #tpu.memory_space<hbm>> -> memref<128x64xf32, #tpu.memory_space<hbm>>
        %dma_wait3A_389 = arith.constant 0 : i32
        %dma_wait3A_390 = arith.constant 0 : i32
        %dma_wait3A_391 = tpu.memref_slice %arg6[%dma_wait3A_377, %dma_wait3A_389, %dma_wait3A_390] : memref<4x128x128xf32, #tpu.memory_space<vmem>> -> memref<1x128x128xf32, #tpu.memory_space<vmem>>
        %dma_wait3A_392 = tpu.memref_squeeze %dma_wait3A_391 : memref<1x128x128xf32, #tpu.memory_space<vmem>> -> memref<128x128xf32, #tpu.memory_space<vmem>>
        %dma_wait3A_393 = arith.constant 0 : i32
        %dma_wait3A_394 = arith.constant 0 : i32
        %dma_wait3A_395 = tpu.memref_slice %dma_wait3A_392[%dma_wait3A_393, %dma_wait3A_394] : memref<128x128xf32, #tpu.memory_space<vmem>> -> memref<128x64xf32, #tpu.memory_space<vmem>>
        tpu.wait_dma2 semaphore(%arg8 : memref<!tpu.dma_semaphore, #tpu.memory_space<semaphore_mem>>) src(%dma_wait3A_395 : memref<128x64xf32, #tpu.memory_space<vmem>>) dst(%dma_wait3A_388 : memref<128x64xf32, #tpu.memory_space<hbm>>)
      } else {
      }
      %add3A_220 = arith.constant 2 : i32
      %add3A_221 = arith.addi %add3A_184, %add3A_220 : i32
      %lt3A = arith.constant 50 : i32
      %lt3A_222 = arith.cmpi slt, %add3A_221, %lt3A : i32
      %convert_element_type3A_223 = arith.extui %lt3A_222 : i1 to i32
      %cond3A_224 = arith.constant 0 : i32
      %cond3A_225 = arith.cmpi ne, %convert_element_type3A_223, %cond3A_224 : i32
      scf.if %cond3A_225 {
        %add3A_373 = arith.constant 2 : i32
        %add3A_374 = arith.addi %add3A_184, %add3A_373 : i32
        %dma_start3A_375 = arith.constant 2 : i32
        %dma_start3A_376 = arith.constant 0 : i32
        %dma_start3A_377 = arith.constant 0 : i32
        %dma_start3A_378 = tpu.memref_slice %arg6[%dma_start3A_375, %dma_start3A_376, %dma_start3A_377] : memref<4x128x128xf32, #tpu.memory_space<vmem>> -> memref<1x128x128xf32, #tpu.memory_space<vmem>>
        %dma_start3A_379 = tpu.memref_squeeze %dma_start3A_378 : memref<1x128x128xf32, #tpu.memory_space<vmem>> -> memref<128x128xf32, #tpu.memory_space<vmem>>
        %dma_start3A_380 = arith.constant 0 : i32
        %dma_start3A_381 = tpu.memref_slice %arg5[%add3A_374, %dma_start3A_380] : memref<50x128xi32, #tpu.memory_space<vmem>> -> memref<1x128xi32, #tpu.memory_space<vmem>>
        %dma_start3A_382 = tpu.memref_squeeze %dma_start3A_381 : memref<1x128xi32, #tpu.memory_space<vmem>> -> memref<128xi32, #tpu.memory_space<vmem>>
        %dma_start3A_383 = arith.constant 0 : i32
        %dma_start3A_384 = arith.constant 0 : i32
        %dma_start3A_385 = tpu.memref_slice %arg3[%dma_start3A_383, %dma_start3A_384] : memref<1000000x128xf32, #tpu.memory_space<hbm>> -> memref<1000000x128xf32, #tpu.memory_space<hbm>>
        tpu.enqueue_indirect_dma source(%dma_start3A_385 : memref<1000000x128xf32, #tpu.memory_space<hbm>>) target(%dma_start3A_379 : memref<128x128xf32, #tpu.memory_space<vmem>>) offsets(%dma_start3A_382 : memref<128xi32, #tpu.memory_space<vmem>>) semaphore(%arg7 : memref<!tpu.dma_semaphore, #tpu.memory_space<semaphore_mem>>)
      } else {
      }
      %mul3A_226 = arith.constant 4 : i32
      %mul3A_227 = arith.muli %mul3A_226, %scan3A_180 : i32
      %add3A_228 = arith.constant 1 : i32
      %add3A_229 = arith.addi %mul3A_227, %add3A_228 : i32
      %dma_wait3A_230 = arith.constant 1 : i32
      %dma_wait3A_231 = arith.constant 0 : i32
      %dma_wait3A_232 = arith.constant 0 : i32
      %dma_wait3A_233 = tpu.memref_slice %arg6[%dma_wait3A_230, %dma_wait3A_231, %dma_wait3A_232] : memref<4x128x128xf32, #tpu.memory_space<vmem>> -> memref<1x128x128xf32, #tpu.memory_space<vmem>>
      %dma_wait3A_234 = tpu.memref_squeeze %dma_wait3A_233 : memref<1x128x128xf32, #tpu.memory_space<vmem>> -> memref<128x128xf32, #tpu.memory_space<vmem>>
      %dma_wait3A_235 = arith.constant 0 : i32
      %dma_wait3A_236 = tpu.memref_slice %arg5[%add3A_229, %dma_wait3A_235] : memref<50x128xi32, #tpu.memory_space<vmem>> -> memref<1x128xi32, #tpu.memory_space<vmem>>
      %dma_wait3A_237 = tpu.memref_squeeze %dma_wait3A_236 : memref<1x128xi32, #tpu.memory_space<vmem>> -> memref<128xi32, #tpu.memory_space<vmem>>
      %dma_wait3A_238 = arith.constant 0 : i32
      %dma_wait3A_239 = arith.constant 0 : i32
      %dma_wait3A_240 = tpu.memref_slice %arg3[%dma_wait3A_238, %dma_wait3A_239] : memref<1000000x128xf32, #tpu.memory_space<hbm>> -> memref<1000000x128xf32, #tpu.memory_space<hbm>>
      tpu.wait_indirect_dma semaphore(%arg7 : memref<!tpu.dma_semaphore, #tpu.memory_space<semaphore_mem>>) src(%dma_wait3A_240 : memref<1000000x128xf32, #tpu.memory_space<hbm>>) dst(%dma_wait3A_234 : memref<128x128xf32, #tpu.memory_space<vmem>>)
      %mul3A_241 = arith.constant 128 : i32
      %mul3A_242 = arith.muli %add3A_229, %mul3A_241 : i32
      %add3A_243 = arith.addi %mul3A_2, %mul3A_242 : i32
      %dma_start3A_244 = arith.constant 1 : i32
      %dma_start3A_245 = arith.constant 0 : i32
      %dma_start3A_246 = arith.constant 0 : i32
      %dma_start3A_247 = tpu.memref_slice %arg6[%dma_start3A_244, %dma_start3A_245, %dma_start3A_246] : memref<4x128x128xf32, #tpu.memory_space<vmem>> -> memref<1x128x128xf32, #tpu.memory_space<vmem>>
      %dma_start3A_248 = tpu.memref_squeeze %dma_start3A_247 : memref<1x128x128xf32, #tpu.memory_space<vmem>> -> memref<128x128xf32, #tpu.memory_space<vmem>>
      %dma_start3A_249 = arith.constant 0 : i32
      %dma_start3A_250 = arith.constant 0 : i32
      %dma_start3A_251 = tpu.memref_slice %dma_start3A_248[%dma_start3A_249, %dma_start3A_250] : memref<128x128xf32, #tpu.memory_space<vmem>> -> memref<128x64xf32, #tpu.memory_space<vmem>>
      %dma_start3A_252 = arith.constant 0 : i32
      %dma_start3A_253 = tpu.memref_slice %arg4[%add3A_243, %dma_start3A_252] : memref<204800x64xf32, #tpu.memory_space<hbm>> -> memref<128x64xf32, #tpu.memory_space<hbm>>
      %dma_start3A_254 = arith.constant 0 : i32
      %dma_start3A_255 = tpu.memref_slice %arg4[%add3A_243, %dma_start3A_254] : memref<204800x64xf32, #tpu.memory_space<hbm>> -> memref<128x64xf32, #tpu.memory_space<hbm>>
      %dma_start3A_256 = arith.constant 0 : i32
      %dma_start3A_257 = arith.constant 0 : i32
      %dma_start3A_258 = tpu.memref_slice %arg6[%dma_start3A_244, %dma_start3A_256, %dma_start3A_257] : memref<4x128x128xf32, #tpu.memory_space<vmem>> -> memref<1x128x128xf32, #tpu.memory_space<vmem>>
      %dma_start3A_259 = tpu.memref_squeeze %dma_start3A_258 : memref<1x128x128xf32, #tpu.memory_space<vmem>> -> memref<128x128xf32, #tpu.memory_space<vmem>>
      %dma_start3A_260 = arith.constant 0 : i32
      %dma_start3A_261 = arith.constant 0 : i32
      %dma_start3A_262 = tpu.memref_slice %dma_start3A_259[%dma_start3A_260, %dma_start3A_261] : memref<128x128xf32, #tpu.memory_space<vmem>> -> memref<128x64xf32, #tpu.memory_space<vmem>>
      tpu.enqueue_dma source(%dma_start3A_262 : memref<128x64xf32, #tpu.memory_space<vmem>>) target(%dma_start3A_255 : memref<128x64xf32, #tpu.memory_space<hbm>>) target_semaphore(%arg8 : memref<!tpu.dma_semaphore, #tpu.memory_space<semaphore_mem>>)
      %ge3A_263 = arith.constant 2 : i32
      %ge3A_264 = arith.cmpi sge, %add3A_229, %ge3A_263 : i32
      %convert_element_type3A_265 = arith.extui %ge3A_264 : i1 to i32
      %cond3A_266 = arith.constant 0 : i32
      %cond3A_267 = arith.cmpi ne, %convert_element_type3A_265, %cond3A_266 : i32
      scf.if %cond3A_267 {
        %sub3A = arith.constant 2 : i32
        %sub3A_373 = arith.subi %add3A_229, %sub3A : i32
        %mul3A_374 = arith.constant 128 : i32
        %mul3A_375 = arith.muli %sub3A_373, %mul3A_374 : i32
        %add3A_376 = arith.addi %mul3A_2, %mul3A_375 : i32
        %dma_wait3A_377 = arith.constant 3 : i32
        %dma_wait3A_378 = arith.constant 0 : i32
        %dma_wait3A_379 = arith.constant 0 : i32
        %dma_wait3A_380 = tpu.memref_slice %arg6[%dma_wait3A_377, %dma_wait3A_378, %dma_wait3A_379] : memref<4x128x128xf32, #tpu.memory_space<vmem>> -> memref<1x128x128xf32, #tpu.memory_space<vmem>>
        %dma_wait3A_381 = tpu.memref_squeeze %dma_wait3A_380 : memref<1x128x128xf32, #tpu.memory_space<vmem>> -> memref<128x128xf32, #tpu.memory_space<vmem>>
        %dma_wait3A_382 = arith.constant 0 : i32
        %dma_wait3A_383 = arith.constant 0 : i32
        %dma_wait3A_384 = tpu.memref_slice %dma_wait3A_381[%dma_wait3A_382, %dma_wait3A_383] : memref<128x128xf32, #tpu.memory_space<vmem>> -> memref<128x64xf32, #tpu.memory_space<vmem>>
        %dma_wait3A_385 = arith.constant 0 : i32
        %dma_wait3A_386 = tpu.memref_slice %arg4[%add3A_376, %dma_wait3A_385] : memref<204800x64xf32, #tpu.memory_space<hbm>> -> memref<128x64xf32, #tpu.memory_space<hbm>>
        %dma_wait3A_387 = arith.constant 0 : i32
        %dma_wait3A_388 = tpu.memref_slice %arg4[%add3A_376, %dma_wait3A_387] : memref<204800x64xf32, #tpu.memory_space<hbm>> -> memref<128x64xf32, #tpu.memory_space<hbm>>
        %dma_wait3A_389 = arith.constant 0 : i32
        %dma_wait3A_390 = arith.constant 0 : i32
        %dma_wait3A_391 = tpu.memref_slice %arg6[%dma_wait3A_377, %dma_wait3A_389, %dma_wait3A_390] : memref<4x128x128xf32, #tpu.memory_space<vmem>> -> memref<1x128x128xf32, #tpu.memory_space<vmem>>
        %dma_wait3A_392 = tpu.memref_squeeze %dma_wait3A_391 : memref<1x128x128xf32, #tpu.memory_space<vmem>> -> memref<128x128xf32, #tpu.memory_space<vmem>>
        %dma_wait3A_393 = arith.constant 0 : i32
        %dma_wait3A_394 = arith.constant 0 : i32
        %dma_wait3A_395 = tpu.memref_slice %dma_wait3A_392[%dma_wait3A_393, %dma_wait3A_394] : memref<128x128xf32, #tpu.memory_space<vmem>> -> memref<128x64xf32, #tpu.memory_space<vmem>>
        tpu.wait_dma2 semaphore(%arg8 : memref<!tpu.dma_semaphore, #tpu.memory_space<semaphore_mem>>) src(%dma_wait3A_395 : memref<128x64xf32, #tpu.memory_space<vmem>>) dst(%dma_wait3A_388 : memref<128x64xf32, #tpu.memory_space<hbm>>)
      } else {
      }
      %add3A_268 = arith.constant 2 : i32
      %add3A_269 = arith.addi %add3A_229, %add3A_268 : i32
      %lt3A_270 = arith.constant 50 : i32
      %lt3A_271 = arith.cmpi slt, %add3A_269, %lt3A_270 : i32
      %convert_element_type3A_272 = arith.extui %lt3A_271 : i1 to i32
      %cond3A_273 = arith.constant 0 : i32
      %cond3A_274 = arith.cmpi ne, %convert_element_type3A_272, %cond3A_273 : i32
      scf.if %cond3A_274 {
        %add3A_373 = arith.constant 2 : i32
        %add3A_374 = arith.addi %add3A_229, %add3A_373 : i32
        %dma_start3A_375 = arith.constant 3 : i32
        %dma_start3A_376 = arith.constant 0 : i32
        %dma_start3A_377 = arith.constant 0 : i32
        %dma_start3A_378 = tpu.memref_slice %arg6[%dma_start3A_375, %dma_start3A_376, %dma_start3A_377] : memref<4x128x128xf32, #tpu.memory_space<vmem>> -> memref<1x128x128xf32, #tpu.memory_space<vmem>>
        %dma_start3A_379 = tpu.memref_squeeze %dma_start3A_378 : memref<1x128x128xf32, #tpu.memory_space<vmem>> -> memref<128x128xf32, #tpu.memory_space<vmem>>
        %dma_start3A_380 = arith.constant 0 : i32
        %dma_start3A_381 = tpu.memref_slice %arg5[%add3A_374, %dma_start3A_380] : memref<50x128xi32, #tpu.memory_space<vmem>> -> memref<1x128xi32, #tpu.memory_space<vmem>>
        %dma_start3A_382 = tpu.memref_squeeze %dma_start3A_381 : memref<1x128xi32, #tpu.memory_space<vmem>> -> memref<128xi32, #tpu.memory_space<vmem>>
        %dma_start3A_383 = arith.constant 0 : i32
        %dma_start3A_384 = arith.constant 0 : i32
        %dma_start3A_385 = tpu.memref_slice %arg3[%dma_start3A_383, %dma_start3A_384] : memref<1000000x128xf32, #tpu.memory_space<hbm>> -> memref<1000000x128xf32, #tpu.memory_space<hbm>>
        tpu.enqueue_indirect_dma source(%dma_start3A_385 : memref<1000000x128xf32, #tpu.memory_space<hbm>>) target(%dma_start3A_379 : memref<128x128xf32, #tpu.memory_space<vmem>>) offsets(%dma_start3A_382 : memref<128xi32, #tpu.memory_space<vmem>>) semaphore(%arg7 : memref<!tpu.dma_semaphore, #tpu.memory_space<semaphore_mem>>)
      } else {
      }
      %mul3A_275 = arith.constant 4 : i32
      %mul3A_276 = arith.muli %mul3A_275, %scan3A_180 : i32
      %add3A_277 = arith.constant 2 : i32
      %add3A_278 = arith.addi %mul3A_276, %add3A_277 : i32
      %dma_wait3A_279 = arith.constant 2 : i32
      %dma_wait3A_280 = arith.constant 0 : i32
      %dma_wait3A_281 = arith.constant 0 : i32
      %dma_wait3A_282 = tpu.memref_slice %arg6[%dma_wait3A_279, %dma_wait3A_280, %dma_wait3A_281] : memref<4x128x128xf32, #tpu.memory_space<vmem>> -> memref<1x128x128xf32, #tpu.memory_space<vmem>>
      %dma_wait3A_283 = tpu.memref_squeeze %dma_wait3A_282 : memref<1x128x128xf32, #tpu.memory_space<vmem>> -> memref<128x128xf32, #tpu.memory_space<vmem>>
      %dma_wait3A_284 = arith.constant 0 : i32
      %dma_wait3A_285 = tpu.memref_slice %arg5[%add3A_278, %dma_wait3A_284] : memref<50x128xi32, #tpu.memory_space<vmem>> -> memref<1x128xi32, #tpu.memory_space<vmem>>
      %dma_wait3A_286 = tpu.memref_squeeze %dma_wait3A_285 : memref<1x128xi32, #tpu.memory_space<vmem>> -> memref<128xi32, #tpu.memory_space<vmem>>
      %dma_wait3A_287 = arith.constant 0 : i32
      %dma_wait3A_288 = arith.constant 0 : i32
      %dma_wait3A_289 = tpu.memref_slice %arg3[%dma_wait3A_287, %dma_wait3A_288] : memref<1000000x128xf32, #tpu.memory_space<hbm>> -> memref<1000000x128xf32, #tpu.memory_space<hbm>>
      tpu.wait_indirect_dma semaphore(%arg7 : memref<!tpu.dma_semaphore, #tpu.memory_space<semaphore_mem>>) src(%dma_wait3A_289 : memref<1000000x128xf32, #tpu.memory_space<hbm>>) dst(%dma_wait3A_283 : memref<128x128xf32, #tpu.memory_space<vmem>>)
      %mul3A_290 = arith.constant 128 : i32
      %mul3A_291 = arith.muli %add3A_278, %mul3A_290 : i32
      %add3A_292 = arith.addi %mul3A_2, %mul3A_291 : i32
      %dma_start3A_293 = arith.constant 2 : i32
      %dma_start3A_294 = arith.constant 0 : i32
      %dma_start3A_295 = arith.constant 0 : i32
      %dma_start3A_296 = tpu.memref_slice %arg6[%dma_start3A_293, %dma_start3A_294, %dma_start3A_295] : memref<4x128x128xf32, #tpu.memory_space<vmem>> -> memref<1x128x128xf32, #tpu.memory_space<vmem>>
      %dma_start3A_297 = tpu.memref_squeeze %dma_start3A_296 : memref<1x128x128xf32, #tpu.memory_space<vmem>> -> memref<128x128xf32, #tpu.memory_space<vmem>>
      %dma_start3A_298 = arith.constant 0 : i32
      %dma_start3A_299 = arith.constant 0 : i32
      %dma_start3A_300 = tpu.memref_slice %dma_start3A_297[%dma_start3A_298, %dma_start3A_299] : memref<128x128xf32, #tpu.memory_space<vmem>> -> memref<128x64xf32, #tpu.memory_space<vmem>>
      %dma_start3A_301 = arith.constant 0 : i32
      %dma_start3A_302 = tpu.memref_slice %arg4[%add3A_292, %dma_start3A_301] : memref<204800x64xf32, #tpu.memory_space<hbm>> -> memref<128x64xf32, #tpu.memory_space<hbm>>
      %dma_start3A_303 = arith.constant 0 : i32
      %dma_start3A_304 = tpu.memref_slice %arg4[%add3A_292, %dma_start3A_303] : memref<204800x64xf32, #tpu.memory_space<hbm>> -> memref<128x64xf32, #tpu.memory_space<hbm>>
      %dma_start3A_305 = arith.constant 0 : i32
      %dma_start3A_306 = arith.constant 0 : i32
      %dma_start3A_307 = tpu.memref_slice %arg6[%dma_start3A_293, %dma_start3A_305, %dma_start3A_306] : memref<4x128x128xf32, #tpu.memory_space<vmem>> -> memref<1x128x128xf32, #tpu.memory_space<vmem>>
      %dma_start3A_308 = tpu.memref_squeeze %dma_start3A_307 : memref<1x128x128xf32, #tpu.memory_space<vmem>> -> memref<128x128xf32, #tpu.memory_space<vmem>>
      %dma_start3A_309 = arith.constant 0 : i32
      %dma_start3A_310 = arith.constant 0 : i32
      %dma_start3A_311 = tpu.memref_slice %dma_start3A_308[%dma_start3A_309, %dma_start3A_310] : memref<128x128xf32, #tpu.memory_space<vmem>> -> memref<128x64xf32, #tpu.memory_space<vmem>>
      tpu.enqueue_dma source(%dma_start3A_311 : memref<128x64xf32, #tpu.memory_space<vmem>>) target(%dma_start3A_304 : memref<128x64xf32, #tpu.memory_space<hbm>>) target_semaphore(%arg8 : memref<!tpu.dma_semaphore, #tpu.memory_space<semaphore_mem>>)
      %ge3A_312 = arith.constant 2 : i32
      %ge3A_313 = arith.cmpi sge, %add3A_278, %ge3A_312 : i32
      %convert_element_type3A_314 = arith.extui %ge3A_313 : i1 to i32
      %cond3A_315 = arith.constant 0 : i32
      %cond3A_316 = arith.cmpi ne, %convert_element_type3A_314, %cond3A_315 : i32
      scf.if %cond3A_316 {
        %sub3A = arith.constant 2 : i32
        %sub3A_373 = arith.subi %add3A_278, %sub3A : i32
        %mul3A_374 = arith.constant 128 : i32
        %mul3A_375 = arith.muli %sub3A_373, %mul3A_374 : i32
        %add3A_376 = arith.addi %mul3A_2, %mul3A_375 : i32
        %dma_wait3A_377 = arith.constant 0 : i32
        %dma_wait3A_378 = arith.constant 0 : i32
        %dma_wait3A_379 = arith.constant 0 : i32
        %dma_wait3A_380 = tpu.memref_slice %arg6[%dma_wait3A_377, %dma_wait3A_378, %dma_wait3A_379] : memref<4x128x128xf32, #tpu.memory_space<vmem>> -> memref<1x128x128xf32, #tpu.memory_space<vmem>>
        %dma_wait3A_381 = tpu.memref_squeeze %dma_wait3A_380 : memref<1x128x128xf32, #tpu.memory_space<vmem>> -> memref<128x128xf32, #tpu.memory_space<vmem>>
        %dma_wait3A_382 = arith.constant 0 : i32
        %dma_wait3A_383 = arith.constant 0 : i32
        %dma_wait3A_384 = tpu.memref_slice %dma_wait3A_381[%dma_wait3A_382, %dma_wait3A_383] : memref<128x128xf32, #tpu.memory_space<vmem>> -> memref<128x64xf32, #tpu.memory_space<vmem>>
        %dma_wait3A_385 = arith.constant 0 : i32
        %dma_wait3A_386 = tpu.memref_slice %arg4[%add3A_376, %dma_wait3A_385] : memref<204800x64xf32, #tpu.memory_space<hbm>> -> memref<128x64xf32, #tpu.memory_space<hbm>>
        %dma_wait3A_387 = arith.constant 0 : i32
        %dma_wait3A_388 = tpu.memref_slice %arg4[%add3A_376, %dma_wait3A_387] : memref<204800x64xf32, #tpu.memory_space<hbm>> -> memref<128x64xf32, #tpu.memory_space<hbm>>
        %dma_wait3A_389 = arith.constant 0 : i32
        %dma_wait3A_390 = arith.constant 0 : i32
        %dma_wait3A_391 = tpu.memref_slice %arg6[%dma_wait3A_377, %dma_wait3A_389, %dma_wait3A_390] : memref<4x128x128xf32, #tpu.memory_space<vmem>> -> memref<1x128x128xf32, #tpu.memory_space<vmem>>
        %dma_wait3A_392 = tpu.memref_squeeze %dma_wait3A_391 : memref<1x128x128xf32, #tpu.memory_space<vmem>> -> memref<128x128xf32, #tpu.memory_space<vmem>>
        %dma_wait3A_393 = arith.constant 0 : i32
        %dma_wait3A_394 = arith.constant 0 : i32
        %dma_wait3A_395 = tpu.memref_slice %dma_wait3A_392[%dma_wait3A_393, %dma_wait3A_394] : memref<128x128xf32, #tpu.memory_space<vmem>> -> memref<128x64xf32, #tpu.memory_space<vmem>>
        tpu.wait_dma2 semaphore(%arg8 : memref<!tpu.dma_semaphore, #tpu.memory_space<semaphore_mem>>) src(%dma_wait3A_395 : memref<128x64xf32, #tpu.memory_space<vmem>>) dst(%dma_wait3A_388 : memref<128x64xf32, #tpu.memory_space<hbm>>)
      } else {
      }
      %add3A_317 = arith.constant 2 : i32
      %add3A_318 = arith.addi %add3A_278, %add3A_317 : i32
      %lt3A_319 = arith.constant 50 : i32
      %lt3A_320 = arith.cmpi slt, %add3A_318, %lt3A_319 : i32
      %convert_element_type3A_321 = arith.extui %lt3A_320 : i1 to i32
      %cond3A_322 = arith.constant 0 : i32
      %cond3A_323 = arith.cmpi ne, %convert_element_type3A_321, %cond3A_322 : i32
      scf.if %cond3A_323 {
        %add3A_373 = arith.constant 2 : i32
        %add3A_374 = arith.addi %add3A_278, %add3A_373 : i32
        %dma_start3A_375 = arith.constant 0 : i32
        %dma_start3A_376 = arith.constant 0 : i32
        %dma_start3A_377 = arith.constant 0 : i32
        %dma_start3A_378 = tpu.memref_slice %arg6[%dma_start3A_375, %dma_start3A_376, %dma_start3A_377] : memref<4x128x128xf32, #tpu.memory_space<vmem>> -> memref<1x128x128xf32, #tpu.memory_space<vmem>>
        %dma_start3A_379 = tpu.memref_squeeze %dma_start3A_378 : memref<1x128x128xf32, #tpu.memory_space<vmem>> -> memref<128x128xf32, #tpu.memory_space<vmem>>
        %dma_start3A_380 = arith.constant 0 : i32
        %dma_start3A_381 = tpu.memref_slice %arg5[%add3A_374, %dma_start3A_380] : memref<50x128xi32, #tpu.memory_space<vmem>> -> memref<1x128xi32, #tpu.memory_space<vmem>>
        %dma_start3A_382 = tpu.memref_squeeze %dma_start3A_381 : memref<1x128xi32, #tpu.memory_space<vmem>> -> memref<128xi32, #tpu.memory_space<vmem>>
        %dma_start3A_383 = arith.constant 0 : i32
        %dma_start3A_384 = arith.constant 0 : i32
        %dma_start3A_385 = tpu.memref_slice %arg3[%dma_start3A_383, %dma_start3A_384] : memref<1000000x128xf32, #tpu.memory_space<hbm>> -> memref<1000000x128xf32, #tpu.memory_space<hbm>>
        tpu.enqueue_indirect_dma source(%dma_start3A_385 : memref<1000000x128xf32, #tpu.memory_space<hbm>>) target(%dma_start3A_379 : memref<128x128xf32, #tpu.memory_space<vmem>>) offsets(%dma_start3A_382 : memref<128xi32, #tpu.memory_space<vmem>>) semaphore(%arg7 : memref<!tpu.dma_semaphore, #tpu.memory_space<semaphore_mem>>)
      } else {
      }
      %mul3A_324 = arith.constant 4 : i32
      %mul3A_325 = arith.muli %mul3A_324, %scan3A_180 : i32
      %add3A_326 = arith.constant 3 : i32
      %add3A_327 = arith.addi %mul3A_325, %add3A_326 : i32
      %dma_wait3A_328 = arith.constant 3 : i32
      %dma_wait3A_329 = arith.constant 0 : i32
      %dma_wait3A_330 = arith.constant 0 : i32
      %dma_wait3A_331 = tpu.memref_slice %arg6[%dma_wait3A_328, %dma_wait3A_329, %dma_wait3A_330] : memref<4x128x128xf32, #tpu.memory_space<vmem>> -> memref<1x128x128xf32, #tpu.memory_space<vmem>>
      %dma_wait3A_332 = tpu.memref_squeeze %dma_wait3A_331 : memref<1x128x128xf32, #tpu.memory_space<vmem>> -> memref<128x128xf32, #tpu.memory_space<vmem>>
      %dma_wait3A_333 = arith.constant 0 : i32
      %dma_wait3A_334 = tpu.memref_slice %arg5[%add3A_327, %dma_wait3A_333] : memref<50x128xi32, #tpu.memory_space<vmem>> -> memref<1x128xi32, #tpu.memory_space<vmem>>
      %dma_wait3A_335 = tpu.memref_squeeze %dma_wait3A_334 : memref<1x128xi32, #tpu.memory_space<vmem>> -> memref<128xi32, #tpu.memory_space<vmem>>
      %dma_wait3A_336 = arith.constant 0 : i32
      %dma_wait3A_337 = arith.constant 0 : i32
      %dma_wait3A_338 = tpu.memref_slice %arg3[%dma_wait3A_336, %dma_wait3A_337] : memref<1000000x128xf32, #tpu.memory_space<hbm>> -> memref<1000000x128xf32, #tpu.memory_space<hbm>>
      tpu.wait_indirect_dma semaphore(%arg7 : memref<!tpu.dma_semaphore, #tpu.memory_space<semaphore_mem>>) src(%dma_wait3A_338 : memref<1000000x128xf32, #tpu.memory_space<hbm>>) dst(%dma_wait3A_332 : memref<128x128xf32, #tpu.memory_space<vmem>>)
      %mul3A_339 = arith.constant 128 : i32
      %mul3A_340 = arith.muli %add3A_327, %mul3A_339 : i32
      %add3A_341 = arith.addi %mul3A_2, %mul3A_340 : i32
      %dma_start3A_342 = arith.constant 3 : i32
      %dma_start3A_343 = arith.constant 0 : i32
      %dma_start3A_344 = arith.constant 0 : i32
      %dma_start3A_345 = tpu.memref_slice %arg6[%dma_start3A_342, %dma_start3A_343, %dma_start3A_344] : memref<4x128x128xf32, #tpu.memory_space<vmem>> -> memref<1x128x128xf32, #tpu.memory_space<vmem>>
      %dma_start3A_346 = tpu.memref_squeeze %dma_start3A_345 : memref<1x128x128xf32, #tpu.memory_space<vmem>> -> memref<128x128xf32, #tpu.memory_space<vmem>>
      %dma_start3A_347 = arith.constant 0 : i32
      %dma_start3A_348 = arith.constant 0 : i32
      %dma_start3A_349 = tpu.memref_slice %dma_start3A_346[%dma_start3A_347, %dma_start3A_348] : memref<128x128xf32, #tpu.memory_space<vmem>> -> memref<128x64xf32, #tpu.memory_space<vmem>>
      %dma_start3A_350 = arith.constant 0 : i32
      %dma_start3A_351 = tpu.memref_slice %arg4[%add3A_341, %dma_start3A_350] : memref<204800x64xf32, #tpu.memory_space<hbm>> -> memref<128x64xf32, #tpu.memory_space<hbm>>
      %dma_start3A_352 = arith.constant 0 : i32
      %dma_start3A_353 = tpu.memref_slice %arg4[%add3A_341, %dma_start3A_352] : memref<204800x64xf32, #tpu.memory_space<hbm>> -> memref<128x64xf32, #tpu.memory_space<hbm>>
      %dma_start3A_354 = arith.constant 0 : i32
      %dma_start3A_355 = arith.constant 0 : i32
      %dma_start3A_356 = tpu.memref_slice %arg6[%dma_start3A_342, %dma_start3A_354, %dma_start3A_355] : memref<4x128x128xf32, #tpu.memory_space<vmem>> -> memref<1x128x128xf32, #tpu.memory_space<vmem>>
      %dma_start3A_357 = tpu.memref_squeeze %dma_start3A_356 : memref<1x128x128xf32, #tpu.memory_space<vmem>> -> memref<128x128xf32, #tpu.memory_space<vmem>>
      %dma_start3A_358 = arith.constant 0 : i32
      %dma_start3A_359 = arith.constant 0 : i32
      %dma_start3A_360 = tpu.memref_slice %dma_start3A_357[%dma_start3A_358, %dma_start3A_359] : memref<128x128xf32, #tpu.memory_space<vmem>> -> memref<128x64xf32, #tpu.memory_space<vmem>>
      tpu.enqueue_dma source(%dma_start3A_360 : memref<128x64xf32, #tpu.memory_space<vmem>>) target(%dma_start3A_353 : memref<128x64xf32, #tpu.memory_space<hbm>>) target_semaphore(%arg8 : memref<!tpu.dma_semaphore, #tpu.memory_space<semaphore_mem>>)
      %ge3A_361 = arith.constant 2 : i32
      %ge3A_362 = arith.cmpi sge, %add3A_327, %ge3A_361 : i32
      %convert_element_type3A_363 = arith.extui %ge3A_362 : i1 to i32
      %cond3A_364 = arith.constant 0 : i32
      %cond3A_365 = arith.cmpi ne, %convert_element_type3A_363, %cond3A_364 : i32
      scf.if %cond3A_365 {
        %sub3A = arith.constant 2 : i32
        %sub3A_373 = arith.subi %add3A_327, %sub3A : i32
        %mul3A_374 = arith.constant 128 : i32
        %mul3A_375 = arith.muli %sub3A_373, %mul3A_374 : i32
        %add3A_376 = arith.addi %mul3A_2, %mul3A_375 : i32
        %dma_wait3A_377 = arith.constant 1 : i32
        %dma_wait3A_378 = arith.constant 0 : i32
        %dma_wait3A_379 = arith.constant 0 : i32
        %dma_wait3A_380 = tpu.memref_slice %arg6[%dma_wait3A_377, %dma_wait3A_378, %dma_wait3A_379] : memref<4x128x128xf32, #tpu.memory_space<vmem>> -> memref<1x128x128xf32, #tpu.memory_space<vmem>>
        %dma_wait3A_381 = tpu.memref_squeeze %dma_wait3A_380 : memref<1x128x128xf32, #tpu.memory_space<vmem>> -> memref<128x128xf32, #tpu.memory_space<vmem>>
        %dma_wait3A_382 = arith.constant 0 : i32
        %dma_wait3A_383 = arith.constant 0 : i32
        %dma_wait3A_384 = tpu.memref_slice %dma_wait3A_381[%dma_wait3A_382, %dma_wait3A_383] : memref<128x128xf32, #tpu.memory_space<vmem>> -> memref<128x64xf32, #tpu.memory_space<vmem>>
        %dma_wait3A_385 = arith.constant 0 : i32
        %dma_wait3A_386 = tpu.memref_slice %arg4[%add3A_376, %dma_wait3A_385] : memref<204800x64xf32, #tpu.memory_space<hbm>> -> memref<128x64xf32, #tpu.memory_space<hbm>>
        %dma_wait3A_387 = arith.constant 0 : i32
        %dma_wait3A_388 = tpu.memref_slice %arg4[%add3A_376, %dma_wait3A_387] : memref<204800x64xf32, #tpu.memory_space<hbm>> -> memref<128x64xf32, #tpu.memory_space<hbm>>
        %dma_wait3A_389 = arith.constant 0 : i32
        %dma_wait3A_390 = arith.constant 0 : i32
        %dma_wait3A_391 = tpu.memref_slice %arg6[%dma_wait3A_377, %dma_wait3A_389, %dma_wait3A_390] : memref<4x128x128xf32, #tpu.memory_space<vmem>> -> memref<1x128x128xf32, #tpu.memory_space<vmem>>
        %dma_wait3A_392 = tpu.memref_squeeze %dma_wait3A_391 : memref<1x128x128xf32, #tpu.memory_space<vmem>> -> memref<128x128xf32, #tpu.memory_space<vmem>>
        %dma_wait3A_393 = arith.constant 0 : i32
        %dma_wait3A_394 = arith.constant 0 : i32
        %dma_wait3A_395 = tpu.memref_slice %dma_wait3A_392[%dma_wait3A_393, %dma_wait3A_394] : memref<128x128xf32, #tpu.memory_space<vmem>> -> memref<128x64xf32, #tpu.memory_space<vmem>>
        tpu.wait_dma2 semaphore(%arg8 : memref<!tpu.dma_semaphore, #tpu.memory_space<semaphore_mem>>) src(%dma_wait3A_395 : memref<128x64xf32, #tpu.memory_space<vmem>>) dst(%dma_wait3A_388 : memref<128x64xf32, #tpu.memory_space<hbm>>)
      } else {
      }
      %add3A_366 = arith.constant 2 : i32
      %add3A_367 = arith.addi %add3A_327, %add3A_366 : i32
      %lt3A_368 = arith.constant 50 : i32
      %lt3A_369 = arith.cmpi slt, %add3A_367, %lt3A_368 : i32
      %convert_element_type3A_370 = arith.extui %lt3A_369 : i1 to i32
      %cond3A_371 = arith.constant 0 : i32
      %cond3A_372 = arith.cmpi ne, %convert_element_type3A_370, %cond3A_371 : i32
      scf.if %cond3A_372 {
        %add3A_373 = arith.constant 2 : i32
        %add3A_374 = arith.addi %add3A_327, %add3A_373 : i32
        %dma_start3A_375 = arith.constant 1 : i32
        %dma_start3A_376 = arith.constant 0 : i32
        %dma_start3A_377 = arith.constant 0 : i32
        %dma_start3A_378 = tpu.memref_slice %arg6[%dma_start3A_375, %dma_start3A_376, %dma_start3A_377] : memref<4x128x128xf32, #tpu.memory_space<vmem>> -> memref<1x128x128xf32, #tpu.memory_space<vmem>>
        %dma_start3A_379 = tpu.memref_squeeze %dma_start3A_378 : memref<1x128x128xf32, #tpu.memory_space<vmem>> -> memref<128x128xf32, #tpu.memory_space<vmem>>
        %dma_start3A_380 = arith.constant 0 : i32
        %dma_start3A_381 = tpu.memref_slice %arg5[%add3A_374, %dma_start3A_380] : memref<50x128xi32, #tpu.memory_space<vmem>> -> memref<1x128xi32, #tpu.memory_space<vmem>>
        %dma_start3A_382 = tpu.memref_squeeze %dma_start3A_381 : memref<1x128xi32, #tpu.memory_space<vmem>> -> memref<128xi32, #tpu.memory_space<vmem>>
        %dma_start3A_383 = arith.constant 0 : i32
        %dma_start3A_384 = arith.constant 0 : i32
        %dma_start3A_385 = tpu.memref_slice %arg3[%dma_start3A_383, %dma_start3A_384] : memref<1000000x128xf32, #tpu.memory_space<hbm>> -> memref<1000000x128xf32, #tpu.memory_space<hbm>>
        tpu.enqueue_indirect_dma source(%dma_start3A_385 : memref<1000000x128xf32, #tpu.memory_space<hbm>>) target(%dma_start3A_379 : memref<128x128xf32, #tpu.memory_space<vmem>>) offsets(%dma_start3A_382 : memref<128xi32, #tpu.memory_space<vmem>>) semaphore(%arg7 : memref<!tpu.dma_semaphore, #tpu.memory_space<semaphore_mem>>)
      } else {
      }
    }
    %scan3A_30 = arith.constant 12 : i32
    %dma_wait3A = arith.constant 48 : i32
    %dma_wait3A_31 = arith.constant 0 : i32
    %dma_wait3A_32 = arith.constant 0 : i32
    %dma_wait3A_33 = arith.constant 0 : i32
    %dma_wait3A_34 = tpu.memref_slice %arg6[%dma_wait3A_31, %dma_wait3A_32, %dma_wait3A_33] : memref<4x128x128xf32, #tpu.memory_space<vmem>> -> memref<1x128x128xf32, #tpu.memory_space<vmem>>
    %dma_wait3A_35 = tpu.memref_squeeze %dma_wait3A_34 : memref<1x128x128xf32, #tpu.memory_space<vmem>> -> memref<128x128xf32, #tpu.memory_space<vmem>>
    %dma_wait3A_36 = arith.constant 0 : i32
    %dma_wait3A_37 = tpu.memref_slice %arg5[%dma_wait3A, %dma_wait3A_36] : memref<50x128xi32, #tpu.memory_space<vmem>> -> memref<1x128xi32, #tpu.memory_space<vmem>>
    %dma_wait3A_38 = tpu.memref_squeeze %dma_wait3A_37 : memref<1x128xi32, #tpu.memory_space<vmem>> -> memref<128xi32, #tpu.memory_space<vmem>>
    %dma_wait3A_39 = arith.constant 0 : i32
    %dma_wait3A_40 = arith.constant 0 : i32
    %dma_wait3A_41 = tpu.memref_slice %arg3[%dma_wait3A_39, %dma_wait3A_40] : memref<1000000x128xf32, #tpu.memory_space<hbm>> -> memref<1000000x128xf32, #tpu.memory_space<hbm>>
    tpu.wait_indirect_dma semaphore(%arg7 : memref<!tpu.dma_semaphore, #tpu.memory_space<semaphore_mem>>) src(%dma_wait3A_41 : memref<1000000x128xf32, #tpu.memory_space<hbm>>) dst(%dma_wait3A_35 : memref<128x128xf32, #tpu.memory_space<vmem>>)
    %add3A_42 = arith.constant 6144 : i32
    %add3A_43 = arith.addi %mul3A_2, %add3A_42 : i32
    %dma_start3A_44 = arith.constant 0 : i32
    %dma_start3A_45 = arith.constant 0 : i32
    %dma_start3A_46 = arith.constant 0 : i32
    %dma_start3A_47 = tpu.memref_slice %arg6[%dma_start3A_44, %dma_start3A_45, %dma_start3A_46] : memref<4x128x128xf32, #tpu.memory_space<vmem>> -> memref<1x128x128xf32, #tpu.memory_space<vmem>>
    %dma_start3A_48 = tpu.memref_squeeze %dma_start3A_47 : memref<1x128x128xf32, #tpu.memory_space<vmem>> -> memref<128x128xf32, #tpu.memory_space<vmem>>
    %dma_start3A_49 = arith.constant 0 : i32
    %dma_start3A_50 = arith.constant 0 : i32
    %dma_start3A_51 = tpu.memref_slice %dma_start3A_48[%dma_start3A_49, %dma_start3A_50] : memref<128x128xf32, #tpu.memory_space<vmem>> -> memref<128x64xf32, #tpu.memory_space<vmem>>
    %dma_start3A_52 = arith.constant 0 : i32
    %dma_start3A_53 = tpu.memref_slice %arg4[%add3A_43, %dma_start3A_52] : memref<204800x64xf32, #tpu.memory_space<hbm>> -> memref<128x64xf32, #tpu.memory_space<hbm>>
    %dma_start3A_54 = arith.constant 0 : i32
    %dma_start3A_55 = tpu.memref_slice %arg4[%add3A_43, %dma_start3A_54] : memref<204800x64xf32, #tpu.memory_space<hbm>> -> memref<128x64xf32, #tpu.memory_space<hbm>>
    %dma_start3A_56 = arith.constant 0 : i32
    %dma_start3A_57 = arith.constant 0 : i32
    %dma_start3A_58 = tpu.memref_slice %arg6[%dma_start3A_44, %dma_start3A_56, %dma_start3A_57] : memref<4x128x128xf32, #tpu.memory_space<vmem>> -> memref<1x128x128xf32, #tpu.memory_space<vmem>>
    %dma_start3A_59 = tpu.memref_squeeze %dma_start3A_58 : memref<1x128x128xf32, #tpu.memory_space<vmem>> -> memref<128x128xf32, #tpu.memory_space<vmem>>
    %dma_start3A_60 = arith.constant 0 : i32
    %dma_start3A_61 = arith.constant 0 : i32
    %dma_start3A_62 = tpu.memref_slice %dma_start3A_59[%dma_start3A_60, %dma_start3A_61] : memref<128x128xf32, #tpu.memory_space<vmem>> -> memref<128x64xf32, #tpu.memory_space<vmem>>
    tpu.enqueue_dma source(%dma_start3A_62 : memref<128x64xf32, #tpu.memory_space<vmem>>) target(%dma_start3A_55 : memref<128x64xf32, #tpu.memory_space<hbm>>) target_semaphore(%arg8 : memref<!tpu.dma_semaphore, #tpu.memory_space<semaphore_mem>>)
    %add3A_63 = arith.constant 5888 : i32
    %add3A_64 = arith.addi %mul3A_2, %add3A_63 : i32
    %dma_wait3A_65 = arith.constant 2 : i32
    %dma_wait3A_66 = arith.constant 0 : i32
    %dma_wait3A_67 = arith.constant 0 : i32
    %dma_wait3A_68 = tpu.memref_slice %arg6[%dma_wait3A_65, %dma_wait3A_66, %dma_wait3A_67] : memref<4x128x128xf32, #tpu.memory_space<vmem>> -> memref<1x128x128xf32, #tpu.memory_space<vmem>>
    %dma_wait3A_69 = tpu.memref_squeeze %dma_wait3A_68 : memref<1x128x128xf32, #tpu.memory_space<vmem>> -> memref<128x128xf32, #tpu.memory_space<vmem>>
    %dma_wait3A_70 = arith.constant 0 : i32
    %dma_wait3A_71 = arith.constant 0 : i32
    %dma_wait3A_72 = tpu.memref_slice %dma_wait3A_69[%dma_wait3A_70, %dma_wait3A_71] : memref<128x128xf32, #tpu.memory_space<vmem>> -> memref<128x64xf32, #tpu.memory_space<vmem>>
    %dma_wait3A_73 = arith.constant 0 : i32
    %dma_wait3A_74 = tpu.memref_slice %arg4[%add3A_64, %dma_wait3A_73] : memref<204800x64xf32, #tpu.memory_space<hbm>> -> memref<128x64xf32, #tpu.memory_space<hbm>>
    %dma_wait3A_75 = arith.constant 0 : i32
    %dma_wait3A_76 = tpu.memref_slice %arg4[%add3A_64, %dma_wait3A_75] : memref<204800x64xf32, #tpu.memory_space<hbm>> -> memref<128x64xf32, #tpu.memory_space<hbm>>
    %dma_wait3A_77 = arith.constant 0 : i32
    %dma_wait3A_78 = arith.constant 0 : i32
    %dma_wait3A_79 = tpu.memref_slice %arg6[%dma_wait3A_65, %dma_wait3A_77, %dma_wait3A_78] : memref<4x128x128xf32, #tpu.memory_space<vmem>> -> memref<1x128x128xf32, #tpu.memory_space<vmem>>
    %dma_wait3A_80 = tpu.memref_squeeze %dma_wait3A_79 : memref<1x128x128xf32, #tpu.memory_space<vmem>> -> memref<128x128xf32, #tpu.memory_space<vmem>>
    %dma_wait3A_81 = arith.constant 0 : i32
    %dma_wait3A_82 = arith.constant 0 : i32
    %dma_wait3A_83 = tpu.memref_slice %dma_wait3A_80[%dma_wait3A_81, %dma_wait3A_82] : memref<128x128xf32, #tpu.memory_space<vmem>> -> memref<128x64xf32, #tpu.memory_space<vmem>>
    tpu.wait_dma2 semaphore(%arg8 : memref<!tpu.dma_semaphore, #tpu.memory_space<semaphore_mem>>) src(%dma_wait3A_83 : memref<128x64xf32, #tpu.memory_space<vmem>>) dst(%dma_wait3A_76 : memref<128x64xf32, #tpu.memory_space<hbm>>)
    %dma_wait3A_84 = arith.constant 49 : i32
    %dma_wait3A_85 = arith.constant 1 : i32
    %dma_wait3A_86 = arith.constant 0 : i32
    %dma_wait3A_87 = arith.constant 0 : i32
    %dma_wait3A_88 = tpu.memref_slice %arg6[%dma_wait3A_85, %dma_wait3A_86, %dma_wait3A_87] : memref<4x128x128xf32, #tpu.memory_space<vmem>> -> memref<1x128x128xf32, #tpu.memory_space<vmem>>
    %dma_wait3A_89 = tpu.memref_squeeze %dma_wait3A_88 : memref<1x128x128xf32, #tpu.memory_space<vmem>> -> memref<128x128xf32, #tpu.memory_space<vmem>>
    %dma_wait3A_90 = arith.constant 0 : i32
    %dma_wait3A_91 = tpu.memref_slice %arg5[%dma_wait3A_84, %dma_wait3A_90] : memref<50x128xi32, #tpu.memory_space<vmem>> -> memref<1x128xi32, #tpu.memory_space<vmem>>
    %dma_wait3A_92 = tpu.memref_squeeze %dma_wait3A_91 : memref<1x128xi32, #tpu.memory_space<vmem>> -> memref<128xi32, #tpu.memory_space<vmem>>
    %dma_wait3A_93 = arith.constant 0 : i32
    %dma_wait3A_94 = arith.constant 0 : i32
    %dma_wait3A_95 = tpu.memref_slice %arg3[%dma_wait3A_93, %dma_wait3A_94] : memref<1000000x128xf32, #tpu.memory_space<hbm>> -> memref<1000000x128xf32, #tpu.memory_space<hbm>>
    tpu.wait_indirect_dma semaphore(%arg7 : memref<!tpu.dma_semaphore, #tpu.memory_space<semaphore_mem>>) src(%dma_wait3A_95 : memref<1000000x128xf32, #tpu.memory_space<hbm>>) dst(%dma_wait3A_89 : memref<128x128xf32, #tpu.memory_space<vmem>>)
    %add3A_96 = arith.constant 6272 : i32
    %add3A_97 = arith.addi %mul3A_2, %add3A_96 : i32
    %dma_start3A_98 = arith.constant 1 : i32
    %dma_start3A_99 = arith.constant 0 : i32
    %dma_start3A_100 = arith.constant 0 : i32
    %dma_start3A_101 = tpu.memref_slice %arg6[%dma_start3A_98, %dma_start3A_99, %dma_start3A_100] : memref<4x128x128xf32, #tpu.memory_space<vmem>> -> memref<1x128x128xf32, #tpu.memory_space<vmem>>
    %dma_start3A_102 = tpu.memref_squeeze %dma_start3A_101 : memref<1x128x128xf32, #tpu.memory_space<vmem>> -> memref<128x128xf32, #tpu.memory_space<vmem>>
    %dma_start3A_103 = arith.constant 0 : i32
    %dma_start3A_104 = arith.constant 0 : i32
    %dma_start3A_105 = tpu.memref_slice %dma_start3A_102[%dma_start3A_103, %dma_start3A_104] : memref<128x128xf32, #tpu.memory_space<vmem>> -> memref<128x64xf32, #tpu.memory_space<vmem>>
    %dma_start3A_106 = arith.constant 0 : i32
    %dma_start3A_107 = tpu.memref_slice %arg4[%add3A_97, %dma_start3A_106] : memref<204800x64xf32, #tpu.memory_space<hbm>> -> memref<128x64xf32, #tpu.memory_space<hbm>>
    %dma_start3A_108 = arith.constant 0 : i32
    %dma_start3A_109 = tpu.memref_slice %arg4[%add3A_97, %dma_start3A_108] : memref<204800x64xf32, #tpu.memory_space<hbm>> -> memref<128x64xf32, #tpu.memory_space<hbm>>
    %dma_start3A_110 = arith.constant 0 : i32
    %dma_start3A_111 = arith.constant 0 : i32
    %dma_start3A_112 = tpu.memref_slice %arg6[%dma_start3A_98, %dma_start3A_110, %dma_start3A_111] : memref<4x128x128xf32, #tpu.memory_space<vmem>> -> memref<1x128x128xf32, #tpu.memory_space<vmem>>
    %dma_start3A_113 = tpu.memref_squeeze %dma_start3A_112 : memref<1x128x128xf32, #tpu.memory_space<vmem>> -> memref<128x128xf32, #tpu.memory_space<vmem>>
    %dma_start3A_114 = arith.constant 0 : i32
    %dma_start3A_115 = arith.constant 0 : i32
    %dma_start3A_116 = tpu.memref_slice %dma_start3A_113[%dma_start3A_114, %dma_start3A_115] : memref<128x128xf32, #tpu.memory_space<vmem>> -> memref<128x64xf32, #tpu.memory_space<vmem>>
    tpu.enqueue_dma source(%dma_start3A_116 : memref<128x64xf32, #tpu.memory_space<vmem>>) target(%dma_start3A_109 : memref<128x64xf32, #tpu.memory_space<hbm>>) target_semaphore(%arg8 : memref<!tpu.dma_semaphore, #tpu.memory_space<semaphore_mem>>)
    %add3A_117 = arith.constant 6016 : i32
    %add3A_118 = arith.addi %mul3A_2, %add3A_117 : i32
    %dma_wait3A_119 = arith.constant 3 : i32
    %dma_wait3A_120 = arith.constant 0 : i32
    %dma_wait3A_121 = arith.constant 0 : i32
    %dma_wait3A_122 = tpu.memref_slice %arg6[%dma_wait3A_119, %dma_wait3A_120, %dma_wait3A_121] : memref<4x128x128xf32, #tpu.memory_space<vmem>> -> memref<1x128x128xf32, #tpu.memory_space<vmem>>
    %dma_wait3A_123 = tpu.memref_squeeze %dma_wait3A_122 : memref<1x128x128xf32, #tpu.memory_space<vmem>> -> memref<128x128xf32, #tpu.memory_space<vmem>>
    %dma_wait3A_124 = arith.constant 0 : i32
    %dma_wait3A_125 = arith.constant 0 : i32
    %dma_wait3A_126 = tpu.memref_slice %dma_wait3A_123[%dma_wait3A_124, %dma_wait3A_125] : memref<128x128xf32, #tpu.memory_space<vmem>> -> memref<128x64xf32, #tpu.memory_space<vmem>>
    %dma_wait3A_127 = arith.constant 0 : i32
    %dma_wait3A_128 = tpu.memref_slice %arg4[%add3A_118, %dma_wait3A_127] : memref<204800x64xf32, #tpu.memory_space<hbm>> -> memref<128x64xf32, #tpu.memory_space<hbm>>
    %dma_wait3A_129 = arith.constant 0 : i32
    %dma_wait3A_130 = tpu.memref_slice %arg4[%add3A_118, %dma_wait3A_129] : memref<204800x64xf32, #tpu.memory_space<hbm>> -> memref<128x64xf32, #tpu.memory_space<hbm>>
    %dma_wait3A_131 = arith.constant 0 : i32
    %dma_wait3A_132 = arith.constant 0 : i32
    %dma_wait3A_133 = tpu.memref_slice %arg6[%dma_wait3A_119, %dma_wait3A_131, %dma_wait3A_132] : memref<4x128x128xf32, #tpu.memory_space<vmem>> -> memref<1x128x128xf32, #tpu.memory_space<vmem>>
    %dma_wait3A_134 = tpu.memref_squeeze %dma_wait3A_133 : memref<1x128x128xf32, #tpu.memory_space<vmem>> -> memref<128x128xf32, #tpu.memory_space<vmem>>
    %dma_wait3A_135 = arith.constant 0 : i32
    %dma_wait3A_136 = arith.constant 0 : i32
    %dma_wait3A_137 = tpu.memref_slice %dma_wait3A_134[%dma_wait3A_135, %dma_wait3A_136] : memref<128x128xf32, #tpu.memory_space<vmem>> -> memref<128x64xf32, #tpu.memory_space<vmem>>
    tpu.wait_dma2 semaphore(%arg8 : memref<!tpu.dma_semaphore, #tpu.memory_space<semaphore_mem>>) src(%dma_wait3A_137 : memref<128x64xf32, #tpu.memory_space<vmem>>) dst(%dma_wait3A_130 : memref<128x64xf32, #tpu.memory_space<hbm>>)
    %add3A_138 = arith.constant 6144 : i32
    %add3A_139 = arith.addi %mul3A_2, %add3A_138 : i32
    %dma_wait3A_140 = arith.constant 0 : i32
    %dma_wait3A_141 = arith.constant 0 : i32
    %dma_wait3A_142 = arith.constant 0 : i32
    %dma_wait3A_143 = tpu.memref_slice %arg6[%dma_wait3A_140, %dma_wait3A_141, %dma_wait3A_142] : memref<4x128x128xf32, #tpu.memory_space<vmem>> -> memref<1x128x128xf32, #tpu.memory_space<vmem>>
    %dma_wait3A_144 = tpu.memref_squeeze %dma_wait3A_143 : memref<1x128x128xf32, #tpu.memory_space<vmem>> -> memref<128x128xf32, #tpu.memory_space<vmem>>
    %dma_wait3A_145 = arith.constant 0 : i32
    %dma_wait3A_146 = arith.constant 0 : i32
    %dma_wait3A_147 = tpu.memref_slice %dma_wait3A_144[%dma_wait3A_145, %dma_wait3A_146] : memref<128x128xf32, #tpu.memory_space<vmem>> -> memref<128x64xf32, #tpu.memory_space<vmem>>
    %dma_wait3A_148 = arith.constant 0 : i32
    %dma_wait3A_149 = tpu.memref_slice %arg4[%add3A_139, %dma_wait3A_148] : memref<204800x64xf32, #tpu.memory_space<hbm>> -> memref<128x64xf32, #tpu.memory_space<hbm>>
    %dma_wait3A_150 = arith.constant 0 : i32
    %dma_wait3A_151 = tpu.memref_slice %arg4[%add3A_139, %dma_wait3A_150] : memref<204800x64xf32, #tpu.memory_space<hbm>> -> memref<128x64xf32, #tpu.memory_space<hbm>>
    %dma_wait3A_152 = arith.constant 0 : i32
    %dma_wait3A_153 = arith.constant 0 : i32
    %dma_wait3A_154 = tpu.memref_slice %arg6[%dma_wait3A_140, %dma_wait3A_152, %dma_wait3A_153] : memref<4x128x128xf32, #tpu.memory_space<vmem>> -> memref<1x128x128xf32, #tpu.memory_space<vmem>>
    %dma_wait3A_155 = tpu.memref_squeeze %dma_wait3A_154 : memref<1x128x128xf32, #tpu.memory_space<vmem>> -> memref<128x128xf32, #tpu.memory_space<vmem>>
    %dma_wait3A_156 = arith.constant 0 : i32
    %dma_wait3A_157 = arith.constant 0 : i32
    %dma_wait3A_158 = tpu.memref_slice %dma_wait3A_155[%dma_wait3A_156, %dma_wait3A_157] : memref<128x128xf32, #tpu.memory_space<vmem>> -> memref<128x64xf32, #tpu.memory_space<vmem>>
    tpu.wait_dma2 semaphore(%arg8 : memref<!tpu.dma_semaphore, #tpu.memory_space<semaphore_mem>>) src(%dma_wait3A_158 : memref<128x64xf32, #tpu.memory_space<vmem>>) dst(%dma_wait3A_151 : memref<128x64xf32, #tpu.memory_space<hbm>>)
    %add3A_159 = arith.constant 6272 : i32
    %add3A_160 = arith.addi %mul3A_2, %add3A_159 : i32
    %dma_wait3A_161 = arith.constant 1 : i32
    %dma_wait3A_162 = arith.constant 0 : i32
    %dma_wait3A_163 = arith.constant 0 : i32
    %dma_wait3A_164 = tpu.memref_slice %arg6[%dma_wait3A_161, %dma_wait3A_162, %dma_wait3A_163] : memref<4x128x128xf32, #tpu.memory_space<vmem>> -> memref<1x128x128xf32, #tpu.memory_space<vmem>>
    %dma_wait3A_165 = tpu.memref_squeeze %dma_wait3A_164 : memref<1x128x128xf32, #tpu.memory_space<vmem>> -> memref<128x128xf32, #tpu.memory_space<vmem>>
    %dma_wait3A_166 = arith.constant 0 : i32
    %dma_wait3A_167 = arith.constant 0 : i32
    %dma_wait3A_168 = tpu.memref_slice %dma_wait3A_165[%dma_wait3A_166, %dma_wait3A_167] : memref<128x128xf32, #tpu.memory_space<vmem>> -> memref<128x64xf32, #tpu.memory_space<vmem>>
    %dma_wait3A_169 = arith.constant 0 : i32
    %dma_wait3A_170 = tpu.memref_slice %arg4[%add3A_160, %dma_wait3A_169] : memref<204800x64xf32, #tpu.memory_space<hbm>> -> memref<128x64xf32, #tpu.memory_space<hbm>>
    %dma_wait3A_171 = arith.constant 0 : i32
    %dma_wait3A_172 = tpu.memref_slice %arg4[%add3A_160, %dma_wait3A_171] : memref<204800x64xf32, #tpu.memory_space<hbm>> -> memref<128x64xf32, #tpu.memory_space<hbm>>
    %dma_wait3A_173 = arith.constant 0 : i32
    %dma_wait3A_174 = arith.constant 0 : i32
    %dma_wait3A_175 = tpu.memref_slice %arg6[%dma_wait3A_161, %dma_wait3A_173, %dma_wait3A_174] : memref<4x128x128xf32, #tpu.memory_space<vmem>> -> memref<1x128x128xf32, #tpu.memory_space<vmem>>
    %dma_wait3A_176 = tpu.memref_squeeze %dma_wait3A_175 : memref<1x128x128xf32, #tpu.memory_space<vmem>> -> memref<128x128xf32, #tpu.memory_space<vmem>>
    %dma_wait3A_177 = arith.constant 0 : i32
    %dma_wait3A_178 = arith.constant 0 : i32
    %dma_wait3A_179 = tpu.memref_slice %dma_wait3A_176[%dma_wait3A_177, %dma_wait3A_178] : memref<128x128xf32, #tpu.memory_space<vmem>> -> memref<128x64xf32, #tpu.memory_space<vmem>>
    tpu.wait_dma2 semaphore(%arg8 : memref<!tpu.dma_semaphore, #tpu.memory_space<semaphore_mem>>) src(%dma_wait3A_179 : memref<128x64xf32, #tpu.memory_space<vmem>>) dst(%dma_wait3A_172 : memref<128x64xf32, #tpu.memory_space<hbm>>)
    return
  }
}

</mosaic_0001>

<sc_bundles>
// kernel: kernel.3.cloned.1.call-start
scs
__scs_entry_jumppad:
0x0: {  	(pc) =	sbr.rel $0x88, $3  }
0x1: {  	(tag) =	ssettag $0x0;
	lr =	simm.s32 $0x1  }
0x2: {  	[smem:$0x3F9F] =	sst lr;
	_ =	strace $0xD0000000  }
0x3: {  	_ = 	snop  }
0x4: {  	_ = 	snop  }
0x5: {  	_ = 	snop  }
0x6: {  	_ = 	snop  }
0x7: {  	_ = 	snop  }
__scs_overlays_trampoline_lowered:
0x8: {  	[smem:$0x3FAE] =	sst s0  }
0x9: {  	[smem:$0x3FAF] =	sst s1  }
0xa: {  	[smem:$0x3FB0] =	sst s2  }
0xb: {  	[smem:$0x3FB1] =	sst s3  }
0xc: {  	[smem:$0x3FB2] =	sst s4  }
0xd: {  	[smem:$0x3FB3] =	sst s5  }
0xe: {  	[smem:$0x3FB4] =	sst s6  }
0xf: {  	[smem:$0x3FB5] =	sst s7  }
0x10: {  	[smem:$0x3FB6] =	sst s8  }
0x11: {  	[smem:$0x3FB7] =	sst s9;
	s0 =	simm.s32 @!p0 $0x0  }
0x12: {  	s1 =	sld [smem:$0x3F9D];
	s0 =	simm.s32 @p0 $0x1  }
0x13: {  	[smem:$0x3FB8] =	sst s0;
	s0 =	simm.s32 @!p1 $0x0  }
0x14: {  	s2 =	sld [smem:$0x3F9C];
	s0 =	simm.s32 @p1 $0x1  }
0x15: {  	[smem:$0x3FB9] =	sst s0;
	s0 =	simm.s32 @!p2 $0x0  }
0x16: {  	s3 =	sld [smem:$0x3FDB];
	s0 =	simm.s32 @p2 $0x1  }
0x17: {  	s4 =	simm.s32 $0x1BF5;
	[smem:$0x3FBB] =	sst s0  }
0x18: {  	s0 =	sld [smem:$0x3F9E];
	_ =	swait.ge [sflag:s4], $0x0  }
0x19: {  	s7 =	sld [smem:$0x3F9F]  }
0x1a: {  	s8 =	sadd.s32 $0xFFFFE003, lr  }
0x1b: {  	s9 =	sadd.s32 $0xFFFFFEF7, lr;
	s5 =	simm.s32 $0xFFFFFFFF;
	p2 =	slt.u32 s8, $0xFFFFF086  }
0x1c: {  	p1 =	slt.u32 s9, $0xF7A;
	s5 =	simm.s32 @!p2 $0x0  }
0x1d: {  	s5 =	simm.s32 @p1 $0x1;
	p0 =	seq.s32 s7, s2  }
0x1e: {  	s7 =	smul.u32 @!p0 $0xF7A, s2;
	p2 =	seq.s32 @!p0 s5, $0x0  }
0x1f: {  	s9 =	smul.u32 $0xF7A, s1;
	s8 =	simm.s32 @!p0 $0x1BF5;
	p2 =	por !p2, p0  }
0x20: {  	[sflag:s8] =	ssyncset.s32 @!p0 $0xFFFFF086;
	s6 =	sadd.s32 @!p0 s3, s7;
	s7 =	simm.s32 @!p0 $0x108  }
0x21: {  	s3 =	sadd.s32 s3, s9;
	s6 =	sadd.s32 @!p0 $0x88, s6;
	s7 =	simm.s32 @p2 $0x1082  }
0x22: {  	[simem:s7], [sflag:s8] =	dma.local @!p0 [hbm:s6], $0xF7A  }
0x23: {  	s9 =	sor.u32 $0xD0000000, s2;
	s6 =	simm.s32 $0x108;
	_ =	swait.ge @!p0 [sflag:s8], $0x0  }
0x24: {  	s3 =	sadd.s32 $0x88, s3;
	s6 =	simm.s32 @!p1 $0x1082;
	[sflag:s4] =	ssyncset.s32 $0xFFFFF086  }
0x25: {  	[simem:s6], [sflag:s4] =	dma.local [hbm:s3], $0xF7A  }
0x26: {  	[smem:$0x3F9F] =	sst s1;
	(tag) =	ssettag s2;
	_ =	strace s9  }
0x27: {  	s1 =	sld [smem:$0x3FAF]  }
0x28: {  	s2 =	sld [smem:$0x3FB0]  }
0x29: {  	s4 =	sld [smem:$0x3FB2]  }
0x2a: {  	p0 =	seq.s32 s5, $0x0;
	s5 =	sld [smem:$0x3FB3]  }
0x2b: {  	s6 =	sld [smem:$0x3FB4]  }
0x2c: {  	s7 =	sld [smem:$0x3FB5]  }
0x2d: {  	s3 =	simm.s32 $0x108;
	s8 =	sld [smem:$0x3FB6]  }
0x2e: {  	s3 =	simm.s32 @!p0 $0x1082;
	s9 =	sld [smem:$0x3FB7]  }
0x2f: {  	lr =	sadd.s32 s0, s3;
	s0 =	sld [smem:$0x3FAE]  }
0x30: {  	s3 =	sld [smem:$0x3FB1]  }
0x31: {  	[smem:$0x3FBA] =	sst s10  }
0x32: {  	s10 =	sld [smem:$0x3FB8];
	_ =	sdelay $0x3  }
0x33: {  	p0 =	seq.s32 s10, $0x1;
	s10 =	sld [smem:$0x3FBA];
	_ =	sdelay $0x3  }
0x34: {  	[smem:$0x3FBA] =	sst s10  }
0x35: {  	s10 =	sld [smem:$0x3FB9];
	_ =	sdelay $0x3  }
0x36: {  	p1 =	seq.s32 s10, $0x1;
	s10 =	sld [smem:$0x3FBA];
	_ =	sdelay $0x3  }
0x37: {  	[smem:$0x3FBA] =	sst s10  }
0x38: {  	s10 =	sld [smem:$0x3FBB]  }
0x39: {  	_ = 	snop;
	(pc) =	sbr.ind lr, $3  }
0x3a: {  	_ = 	snop  }
0x3b: {  	_ = 	snop  }
0x3c: {  	p2 =	seq.s32 s10, $0x1;
	s10 =	sld [smem:$0x3FBA]  }
0x3d: {  	_ =	shalt  }
0x3e: {  	_ =	shalt  }
0x3f: {  	_ =	shalt  }
0x40: {  	_ =	shalt  }
0x41: {  	_ =	shalt  }
0x42: {  	_ =	shalt  }
0x43: {  	_ =	shalt  }
0x44: {  	_ =	shalt  }
0x45: {  	_ =	shalt  }
0x46: {  	_ =	shalt  }
0x47: {  	_ =	shalt  }
0x48: {  	_ =	shalt  }
0x49: {  	_ =	shalt  }
0x4a: {  	_ =	shalt  }
0x4b: {  	_ =	shalt  }
0x4c: {  	_ =	shalt  }
0x4d: {  	_ =	shalt  }
0x4e: {  	_ =	shalt  }
0x4f: {  	_ =	shalt  }
0x50: {  	_ =	shalt  }
0x51: {  	_ =	shalt  }
0x52: {  	_ =	shalt  }
0x53: {  	_ =	shalt  }
0x54: {  	_ =	shalt  }
0x55: {  	_ =	shalt  }
0x56: {  	_ =	shalt  }
0x57: {  	_ =	shalt  }
0x58: {  	_ =	shalt  }
0x59: {  	_ =	shalt  }
0x5a: {  	_ =	shalt  }
0x5b: {  	_ =	shalt  }
0x5c: {  	_ =	shalt  }
0x5d: {  	_ =	shalt  }
0x5e: {  	_ =	shalt  }
0x5f: {  	_ =	shalt  }
0x60: {  	_ =	shalt  }
0x61: {  	_ =	shalt  }
0x62: {  	_ =	shalt  }
0x63: {  	_ =	shalt  }
0x64: {  	_ =	shalt  }
0x65: {  	_ =	shalt  }
0x66: {  	_ =	shalt  }
0x67: {  	_ =	shalt  }
0x68: {  	_ =	shalt  }
0x69: {  	_ =	shalt  }
0x6a: {  	_ =	shalt  }
0x6b: {  	_ =	shalt  }
0x6c: {  	_ =	shalt  }
0x6d: {  	_ =	shalt  }
0x6e: {  	_ =	shalt  }
0x6f: {  	_ =	shalt  }
0x70: {  	_ =	shalt  }
0x71: {  	_ =	shalt  }
0x72: {  	_ =	shalt  }
0x73: {  	_ =	shalt  }
0x74: {  	_ =	shalt  }
0x75: {  	_ =	shalt  }
0x76: {  	_ =	shalt  }
0x77: {  	_ =	shalt  }
0x78: {  	_ =	shalt  }
0x79: {  	_ =	shalt  }
0x7a: {  	_ =	shalt  }
0x7b: {  	_ =	shalt  }
0x7c: {  	_ =	shalt  }
0x7d: {  	_ =	shalt  }
0x7e: {  	_ =	shalt  }
0x7f: {  	_ =	shalt  }
0x80: {  	_ =	shalt  }
0x81: {  	_ =	shalt  }
0x82: {  	_ =	shalt  }
0x83: {  	_ =	shalt  }
0x84: {  	_ =	shalt  }
0x85: {  	_ =	shalt  }
0x86: {  	_ =	shalt  }
0x87: {  	_ =	shalt  }
.Lfunc_end0:
.L_simem_size_0:
called_computation.1_lowered:
.L_overlay_start_0:
0x88: {  	s2 =	sld [smem:$0x3FD9]  }
0x89: {  	s3 =	sld [smem:$0x3FFE];
	_ =	sdelay $0x1  }
0x8a: {  	s1 =	srdreg.scid  }
0x8b: {  	s0 =	sand.u32 $0x1, s1  }
0x8c: {  	s14 =	sshll.u32 s0, $0xA;
	s2 =	sadd.s32 s3, s2  }
0x8d: {  	s2 =	sadd.s32 s2, s14  }
0x8e: {  	[smem:$0x3FC6] =	sst s2  }
0x8f: {  	_ = 	snop  }
0x90: {  	s2 =	sld [smem:$0x3FD0];
	_ =	sdelay $0x2  }
0x91: {  	s15 =	simm.s32 $0xA;
	s4 =	simm.s32 $0x10  }
0x92: {  	[smem:s4], [sflag:s15] =	dma.local [hbm:s2], $0x1  }
0x93: {  	_ =	swait.eq [sflag:s15], $0x1  }
0x94: {  	[sflag:s15] =	ssyncset.done $0x0  }
0x95: {  	s16 =	sld [smem:$0x10];
	[sflag:s15] =	ssyncadd.s32 $0xFFFFFFFF  }
0x96: {  	s17 =	sld [smem:$0x11];
	(tm) =	ssettm $0x1  }
0x97: {  	s18 =	sld [smem:$0x3FFB];
	_ =	sdelay $0x3  }
0x98: {  	_ =	strace s18  }
0x99: {  	s4 =	sld [smem:$0x3FFC];
	_ =	sdelay $0x3  }
0x9a: {  	_ =	strace s4  }
0x9b: {  	s4 =	sld [smem:$0x3FFD];
	_ =	sdelay $0x3  }
0x9c: {  	_ =	strace s4  }
0x9d: {  	_ =	strace $0x8FFFFFFF  }
0x9e: {  	s19 =	sld [smem:$0x3FDB];
	_ =	sdelay $0x1  }
0x9f: {  	s5 =	simm.s32 $_scs_section_size  }
0xa0: {  	s6 =	simm.s32 $_size__tile_overlayer_lowered;
	s7 =	simm.s32 $_tile_overlayer_lowered  }
0xa1: {  	s22 =	simm.s32 $0x1BFF;
	s21 =	sshll.u32 s7, $0x1;
	s4 =	sadd.s32 s5, s19  }
0xa2: {  	s8 =	simm.s32 $0x0;
	s20 =	sshll.u32 s6, $0x1;
	s6 =	sadd.s32 s21, s4  }
0xa3: {  	[timem:s8], [sflag:s22] =	dma.local [hbm:s6], s20  }
0xa4: {  	_ =	swait.ge [sflag:s22], s20  }
0xa5: {  	s5 =	ssub.s32 $0x0, s20;
	[sflag:s22] =	ssyncset.done $0x0  }
0xa6: {  	[sflag:s22] =	ssyncadd.s32 s5;
	_ =	sdelay $0x1  }
0xa7: {  	s23 =	simm.s32 $0x1B8B  }
0xa8: {  	_ =	swait.ge [sflag:s23], $0x1  }
0xa9: {  	[sflag:s23] =	ssyncset.done $0x0  }
0xaa: {  	s25 =	simm.s32 $0x1B8E;
	s24 =	sld [smem:$0x3FFE];
	[sflag:s23] =	ssyncadd.s32 $0xFFFFFFFF  }
0xab: {  	s26 =	simm.s32 $execute0_lowered;
	[smem:$0x3FD2] =	sst s25  }
0xac: {  	s6 =	sshll.u32 s26, $0x1;
	_ =	strace $0x80000046;
	[dreg:$0x1] =	wrdreg $0xFFFFFFFF  }
0xad: {  	s28 =	simm.s32 $_size_execute0_lowered;
	s4 =	sadd.s32 s4, s6;
	[dreg:$0x0] =	wrdreg $0x0  }
0xae: {  	s6 =	sshll.u32 s28, $0x1;
	[dreg:$0x2] =	wrdreg s4  }
0xaf: {  	[dreg:$0x3] =	wrdreg s6  }
0xb0: {  	[dreg:$0x4] =	wrdreg $0xC0  }
0xb1: {  	_ =	task [dreg:s8], $0x5FFFF  }
0xb2: {  	[dreg:$0x1] =	wrdreg $0xFFFFFFFF  }
0xb3: {  	[dreg:$0x0] =	wrdreg $0x60  }
0xb4: {  	[dreg:$0x2] =	wrdreg s17  }
0xb5: {  	[dreg:$0x3] =	wrdreg s24  }
0xb6: {  	[dreg:$0x4] =	wrdreg s16  }
0xb7: {  	[dreg:$0x5] =	wrdreg $0x9  }
0xb8: {  	_ =	task.clear_ibuf [dreg:s8], $0x6FFFF;
	_ =	strace $0x90000046  }
0xb9: {  	s29 =	simm.s32 $0x9;
	_ =	strace $0x80000048  }
0xba: {  	_ =	swait.ge [sflag:s29], $0x1  }
0xbb: {  	[sflag:s29] =	ssyncadd.s32 $0xFFFFFFFF  }
0xbc: {  	_ =	strace $0x90000048  }
0xbd: {  	_ =	sfence  }
0xbe: {  	s30 =	sld [smem:$0x0];
	_ =	sdelay $0x2  }
0xbf: {  	s31 =	sshll.u32 s1, $0xD;
	s1 =	sshrl.u32 s1, $0x2  }
0xc0: {  	s3 =	sand.u32 $0x4000, s31;
	s1 =	sadd.s32 s1, s30  }
0xc1: {  	s0 =	sor.u32 s3, s0;
	s1 =	sshll.u32 s1, $0x11  }
0xc2: {  	s0 =	sor.u32 s1, s0  }
0xc3: {  	s0 =	sadd.s32 $0x8F2B, s0  }
0xc4: {  	[sflag:s0] =	ssyncadd.remote.s32 $0x1  }
0xc5: {  	_ =	sfence.sel $0xFFFF  }
0xc6: {  	[dreg:$0x0] =	wrdreg $0xFFFFFFFF;
	(pc) =	sbr.abs _section_cstart, $3  }
0xc7: {  	[dreg:$0x1] =	wrdreg $0xFFFFFFFF  }
0xc8: {  	_ =	task.clear_ibuf [dreg:s8], $0x2FFFF;
	_ =	strace $0x9FFFFFFF  }
0xc9: {  	(tm) =	ssettm $0x7FFFFFFF  }
tec
execute0_lowered:
.L_overlay_start_1:
0x0: {  	(tag) =	ssettag $0x1  }
0x1: {  	s6 =	rddreg [dreg:$0x0]  }
0x2: {  	s5 =	rddreg [dreg:$0x1]  }
0x3: {  	s1 =	srdreg.scid;
	s0 =	stileid.u32  }
0x4: {  	s2 =	rddreg [dreg:$0x2];
	s3 =	simm.s32 $0x0;
	s11 =	simm.s32 $0x3  }
0x5: {  	s12 =	simm.s32 $0x80;
	s13 =	simm.s32 $0x1900;
	s14 =	simm.s32 $0x5900  }
0x6: {  	s15 =	simm.s32 $0x1;
	s16 =	simm.s32 $0x2;
	s17 =	simm.s32 $0x9900  }
0x7: {  	s18 =	simm.s32 $0xD900;
	s4 =	sand.u32 $0x1, s1;
	s7 =	sshll.u32 s0, $0x1  }
0x8: {  	s19 =	simm.s32 $0x0;
	s1 =	rddreg [dreg:$0x3];
	s7 =	sor.u32 s4, s7  }
0x9: {  	[smem:$0x7FF] =	sst s3;
	s8 =	ssub.s32 $0x2, s4;
	s4 =	smul.u32 $0x64000, s7  }
0xa: {  	s5 =	sadd.s32 $0xF42E00, s5;
	s9 =	sshrl.u32 s8, $0x1;
	s7 =	smul.u32 $0x320, s7  }
0xb: {  	_ =	strace $0x80000047;
	s10 =	ssub.s32 s8, s9;
	s30 =	sshrl.u32 s4, $0x3  }
0xc: {  	s6 =	sadd.s32 s6, s7;
	s7 =	sor.u32 $0x2000, s4;
	s31 =	sadd.s32 s2, s30  }
0xd: {  	s10 =	smax.u32 s10, $0x1;
	s8 =	sadd.s32 $0xC000, s31;
	s9 =	sadd.s32 $0xC400, s31  }
.LBB2_1:
0xe: {  	[tilespmem:s3], [sflag:$0x3] =	stream.linear.gather [hbm4b:s6+s3], $0x1900, $0x38;
	[tilespmem:$0x11900] =	vst v63  }
0xf: {  	_ =	swait.ge [sflag:s11], $0x1900  }
0x10: {  	[sflag:s11] =	ssyncset.done $0x0  }
0x11: {  	[sflag:s11] =	ssyncadd.s32 $0xFFFFE700  }
0x12: {  	[tilespmem:s13], [sflag:$0x1] =	stream.indirect.gather [hbm4b:s5+s12], $0x80, s3, s12, $0xb8;
	[tilespmem:$0x11900] =	vst v63  }
0x13: {  	s20 =	simm.s32 $0x0  }
0x14: {  	[tilespmem:s14], [sflag:$0x1] =	stream.indirect.gather [hbm4b:s5+s12], $0x80, s12, s12, $0xb8;
	[tilespmem:$0x11900] =	vst v63  }
.LBB2_2:
0x15: {  	s22 =	sshll.u32 s20, $0xF  }
0x16: {  	s21 =	sadd.s32 s4, s22  }
0x17: {  	_ =	swait.ge [sflag:s15], $0x4000;
	s23 =	simm.s32 $0x1900;
	s21 =	sshrl.u32 s21, $0x3  }
0x18: {  	s24 =	simm.s32 $0x8;
	[sflag:s15] =	ssyncset.done $0x0;
	s21 =	sadd.s32 s2, s21  }
0x19: {  	s25 =	simm.s32 $0x1980;
	[sflag:s15] =	ssyncadd.s32 $0xFFFFC000;
	s26 =	sadd.s32 $0x0, s21  }
.LBB2_3:
0x1a: {  	[hbm4b:s26+s3] =	stream.linear.scatter [tilespmem:s23], [sflag:$0x2], $0x40, $0x38;
	[tilespmem:$0x11900] =	vst v63  }
0x1b: {  	s26 =	smov.u32 s24;
	s23 =	smov.u32 s25;
	p0 =	sne.s32 s24, $0x3F8  }
.Ltmp0:
0x1c: {  	s24 =	sadd.s32 $0x8, s24;
	(pc) =	sbr.rel @p0 .LBB2_3-.Ltmp0, $2  }
0x1d: {  	_ =	sdelay $0x2  }
0x1e: {  	s25 =	sadd.s32 $0x80, s25;
	s26 =	sadd.s32 s26, s21  }
0x1f: {  	[hbm4b:s26+s3] =	stream.linear.scatter [tilespmem:s23], [sflag:$0x2], $0x40, $0x38;
	[tilespmem:$0x11900] =	vst v63  }
0x20: {  	s23 =	sshll.u32 s20, $0x2;
	p0 =	seq.s32 s20, $0x0  }
0x21: {  	s24 =	simm.s32 @!p0 $0x2;
	s21 =	sor.u32 @!p0 $0x2, s23  }
0x22: {  	_ =	swait.ge @!p0 [sflag:s24], $0x2000;
	s21 =	simm.s32 @p0 $0x2  }
0x23: {  	s22 =	sadd.s32 s22, s7;
	[sflag:s24] =	ssyncset.done @!p0 $0x0;
	s25 =	sshll.u32 s21, $0x7  }
0x24: {  	s22 =	sshrl.u32 s22, $0x3;
	[sflag:s24] =	ssyncadd.s32 @!p0 $0xFFFFE000;
	s31 =	sand.u32 $0x3FFFFF80, s25  }
0x25: {  	[tilespmem:s17], [sflag:$0x1] =	stream.indirect.gather [hbm4b:s5+s12], $0x80, s31, s12, $0xb8;
	[tilespmem:$0x11900] =	vst v63  }
0x26: {  	s22 =	sadd.s32 s2, s22;
	_ =	swait.ge [sflag:s15], $0x4000  }
0x27: {  	s26 =	simm.s32 $0x5980;
	s28 =	sadd.s32 $0x0, s22;
	[sflag:s15] =	ssyncset.done $0x0  }
0x28: {  	s24 =	simm.s32 $0x5900;
	s25 =	simm.s32 $0x8;
	[sflag:s15] =	ssyncadd.s32 $0xFFFFC000  }
.LBB2_5:
0x29: {  	[hbm4b:s28+s3] =	stream.linear.scatter [tilespmem:s24], [sflag:$0x2], $0x40, $0x38;
	[tilespmem:$0x11900] =	vst v63  }
0x2a: {  	s28 =	smov.u32 s25;
	s24 =	smov.u32 s26;
	p1 =	sne.s32 s25, $0x3F8  }
.Ltmp1:
0x2b: {  	s25 =	sadd.s32 $0x8, s25;
	(pc) =	sbr.rel @p1 .LBB2_5-.Ltmp1, $2  }
0x2c: {  	_ =	sdelay $0x2  }
0x2d: {  	s26 =	sadd.s32 $0x80, s26;
	s28 =	sadd.s32 s28, s22  }
0x2e: {  	[hbm4b:s28+s3] =	stream.linear.scatter [tilespmem:s24], [sflag:$0x2], $0x40, $0x38;
	[tilespmem:$0x11900] =	vst v63  }
0x2f: {  	s24 =	simm.s32 @!p0 $0x2;
	s22 =	sor.u32 @!p0 $0x3, s23  }
0x30: {  	_ =	swait.ge @!p0 [sflag:s24], $0x2000;
	s22 =	simm.s32 @p0 $0x3  }
0x31: {  	s21 =	sshll.u32 s21, $0xD;
	[sflag:s24] =	ssyncset.done @!p0 $0x0;
	s31 =	sshll.u32 s22, $0x7  }
0x32: {  	s21 =	sadd.s32 s4, s21;
	[sflag:s24] =	ssyncadd.s32 @!p0 $0xFFFFE000;
	s23 =	sand.u32 $0x3FFFFF80, s31  }
0x33: {  	[tilespmem:s18], [sflag:$0x1] =	stream.indirect.gather [hbm4b:s5+s12], $0x80, s23, s12, $0xb8;
	[tilespmem:$0x11900] =	vst v63  }
0x34: {  	s25 =	simm.s32 $0x9980;
	s21 =	sshrl.u32 s21, $0x3;
	_ =	swait.ge [sflag:s15], $0x4000  }
0x35: {  	s21 =	sadd.s32 s2, s21;
	s24 =	simm.s32 $0x8;
	[sflag:s15] =	ssyncset.done $0x0  }
0x36: {  	s23 =	simm.s32 $0x9900;
	s26 =	sadd.s32 $0x0, s21;
	[sflag:s15] =	ssyncadd.s32 $0xFFFFC000  }
.LBB2_7:
0x37: {  	[hbm4b:s26+s3] =	stream.linear.scatter [tilespmem:s23], [sflag:$0x2], $0x40, $0x38;
	[tilespmem:$0x11900] =	vst v63  }
0x38: {  	s26 =	smov.u32 s24;
	s23 =	smov.u32 s25;
	p0 =	sne.s32 s24, $0x3F8  }
.Ltmp2:
0x39: {  	s24 =	sadd.s32 $0x8, s24;
	(pc) =	sbr.rel @p0 .LBB2_7-.Ltmp2, $2  }
0x3a: {  	_ =	sdelay $0x2  }
0x3b: {  	s25 =	sadd.s32 $0x80, s25;
	s26 =	sadd.s32 s26, s21  }
0x3c: {  	[hbm4b:s26+s3] =	stream.linear.scatter [tilespmem:s23], [sflag:$0x2], $0x40, $0x38;
	[tilespmem:$0x11900] =	vst v63  }
0x3d: {  	s21 =	sshll.u32 s20, $0x9;
	_ =	swait.ge [sflag:s16], $0x2000  }
0x3e: {  	s22 =	sshll.u32 s22, $0xD;
	s21 =	sand.u32 $0x3FFFFE00, s21;
	[sflag:s16] =	ssyncset.done $0x0  }
0x3f: {  	s22 =	sadd.s32 s4, s22;
	s31 =	sadd.s32 $0x200, s21;
	[sflag:s16] =	ssyncadd.s32 $0xFFFFE000  }
0x40: {  	[tilespmem:s13], [sflag:$0x1] =	stream.indirect.gather [hbm4b:s5+s12], $0x80, s31, s12, $0xb8;
	[tilespmem:$0x11900] =	vst v63  }
0x41: {  	s23 =	simm.s32 $0xD900;
	s22 =	sshrl.u32 s22, $0x3;
	_ =	swait.ge [sflag:s15], $0x4000  }
0x42: {  	s24 =	simm.s32 $0x8;
	s22 =	sadd.s32 s2, s22;
	[sflag:s15] =	ssyncset.done $0x0  }
0x43: {  	s25 =	simm.s32 $0xD980;
	s26 =	sadd.s32 $0x0, s22;
	[sflag:s15] =	ssyncadd.s32 $0xFFFFC000  }
.LBB2_9:
0x44: {  	[hbm4b:s26+s3] =	stream.linear.scatter [tilespmem:s23], [sflag:$0x2], $0x40, $0x38;
	[tilespmem:$0x11900] =	vst v63  }
0x45: {  	s26 =	smov.u32 s24;
	s23 =	smov.u32 s25;
	p0 =	sne.s32 s24, $0x3F8  }
.Ltmp3:
0x46: {  	s24 =	sadd.s32 $0x8, s24;
	(pc) =	sbr.rel @p0 .LBB2_9-.Ltmp3, $2  }
0x47: {  	_ =	sdelay $0x2  }
0x48: {  	s25 =	sadd.s32 $0x80, s25;
	s26 =	sadd.s32 s26, s22  }
0x49: {  	[hbm4b:s26+s3] =	stream.linear.scatter [tilespmem:s23], [sflag:$0x2], $0x40, $0x38;
	[tilespmem:$0x11900] =	vst v63  }
0x4a: {  	s20 =	sadd.s32 $0x1, s20  }
0x4b: {  	p0 =	sne.s32 s20, $0xC  }
.Ltmp4:
0x4c: {  	_ = 	snop;
	(pc) =	sbr.rel @p0 .LBB2_2-.Ltmp4, $4  }
0x4d: {  	_ =	swait.ge [sflag:s16], $0x2000  }
0x4e: {  	[sflag:s16] =	ssyncset.done $0x0  }
0x4f: {  	s21 =	sadd.s32 $0x280, s21;
	[sflag:s16] =	ssyncadd.s32 $0xFFFFE000  }
0x50: {  	[tilespmem:s14], [sflag:$0x1] =	stream.indirect.gather [hbm4b:s5+s12], $0x80, s21, s12, $0xb8;
	[tilespmem:$0x11900] =	vst v63  }
0x51: {  	_ =	swait.ge [sflag:s15], $0x4000  }
0x52: {  	s20 =	simm.s32 $0x1900;
	s21 =	simm.s32 $0x8;
	[sflag:s15] =	ssyncset.done $0x0  }
0x53: {  	s23 =	sadd.s32 $0x0, s8;
	s22 =	simm.s32 $0x1980;
	[sflag:s15] =	ssyncadd.s32 $0xFFFFC000  }
.LBB2_12:
0x54: {  	[hbm4b:s23+s3] =	stream.linear.scatter [tilespmem:s20], [sflag:$0x2], $0x40, $0x38;
	[tilespmem:$0x11900] =	vst v63  }
0x55: {  	s23 =	smov.u32 s21;
	s20 =	smov.u32 s22;
	p0 =	sne.s32 s21, $0x3F8  }
.Ltmp5:
0x56: {  	s21 =	sadd.s32 $0x8, s21;
	(pc) =	sbr.rel @p0 .LBB2_12-.Ltmp5, $2  }
0x57: {  	_ =	sdelay $0x2  }
0x58: {  	s22 =	sadd.s32 $0x80, s22;
	s23 =	sadd.s32 s23, s8  }
0x59: {  	[hbm4b:s23+s3] =	stream.linear.scatter [tilespmem:s20], [sflag:$0x2], $0x40, $0x38;
	[tilespmem:$0x11900] =	vst v63  }
0x5a: {  	_ =	swait.ge [sflag:s16], $0x2000  }
0x5b: {  	[sflag:s16] =	ssyncset.done $0x0  }
0x5c: {  	[sflag:s16] =	ssyncadd.s32 $0xFFFFE000  }
0x5d: {  	_ =	swait.ge [sflag:s15], $0x4000  }
0x5e: {  	s20 =	simm.s32 $0x5900;
	s21 =	simm.s32 $0x8;
	[sflag:s15] =	ssyncset.done $0x0  }
0x5f: {  	s23 =	sadd.s32 $0x0, s9;
	s22 =	simm.s32 $0x5980;
	[sflag:s15] =	ssyncadd.s32 $0xFFFFC000  }
.LBB2_14:
0x60: {  	[hbm4b:s23+s3] =	stream.linear.scatter [tilespmem:s20], [sflag:$0x2], $0x40, $0x38;
	[tilespmem:$0x11900] =	vst v63  }
0x61: {  	s23 =	smov.u32 s21;
	s20 =	smov.u32 s22;
	p0 =	sne.s32 s21, $0x3F8  }
.Ltmp6:
0x62: {  	s21 =	sadd.s32 $0x8, s21;
	(pc) =	sbr.rel @p0 .LBB2_14-.Ltmp6, $2  }
0x63: {  	_ =	sdelay $0x2  }
0x64: {  	s22 =	sadd.s32 $0x80, s22;
	s23 =	sadd.s32 s23, s9  }
0x65: {  	[hbm4b:s23+s3] =	stream.linear.scatter [tilespmem:s20], [sflag:$0x2], $0x40, $0x38;
	[tilespmem:$0x11900] =	vst v63  }
0x66: {  	_ =	swait.ge [sflag:s16], $0x2000  }
0x67: {  	[sflag:s16] =	ssyncset.done $0x0  }
0x68: {  	s19 =	sadd.s32 $0x1, s19;
	[sflag:s16] =	ssyncadd.s32 $0xFFFFE000  }
0x69: {  	p0 =	sne.s32 s19, s10;
	_ =	swait.ge [sflag:s16], $0x2000  }
.Ltmp7:
0x6a: {  	[sflag:s16] =	ssyncset.done $0x0;
	(pc) =	sbr.rel @p0 .LBB2_1-.Ltmp7, $4  }
0x6b: {  	[sflag:s16] =	ssyncadd.s32 $0xFFFFE000  }
0x6c: {  	_ =	swait.ge [sflag:s16], $0x2000  }
0x6d: {  	[sflag:s16] =	ssyncset.done $0x0  }
0x6e: {  	[sflag:s16] =	ssyncadd.s32 $0xFFFFE000  }
0x6f: {  	_ =	sfence.sel $0x180000  }
0x70: {  	[bflag:$0x0] =	sbarrier.arrive $0xFFFF  }
0x71: {  	p0 =	sne.s32 s0, $0x0;
	_ =	strace $0x90000047  }
0x72: {  	s0 =	sadd.s32 @!p0 $0x100000, s1;
	[bflag:$0x2] =	sbarrier.arrive $0xFFFF  }
0x73: {  	[sflag:s0] =	ssyncadd.tile.s32 @!p0 $0x1;
	_ =	shalt  }
.Lfunc_end2:
_tile_overlayer_lowered:
.L_overlay_start_2:
0x74: {  	(tag) =	ssettag $0x2  }
0x75: {  	s0 =	rddreg [dreg:$0x0];
	s2 =	stileid.u32  }
0x76: {  	s1 =	rddreg [dreg:$0x1];
	p0 =	sne.s32 s2, $0x0  }
0x77: {  	s3 =	rddreg [dreg:$0x2];
	[bflag:$0x3] =	sbarrier.arrive $0xFFFF;
	s2 =	simm.s32 @!p0 $0x1C03  }
0x78: {  	[timem:s3], [sflag:s2] =	dma.local @!p0 [hbm:s0], s1  }
0x79: {  	s0 =	simm.s32 @!p0 $0x3  }
0x7a: {  	_ =	swait.ge @!p0 [sflag:s0], s1  }
0x7b: {  	s1 =	ssub.s32 @!p0 $0x0, s1;
	[sflag:s0] =	ssyncset.done @!p0 $0x0  }
0x7c: {  	[sflag:s0] =	ssyncadd.s32 @!p0 s1  }
0x7d: {  	[bflag:$0x3] =	sbarrier.arrive $0xFFFF  }
0x7e: {  	_ =	shalt  }

// kernel: sparse-core-data-format-call.cloned.1.call-start
scs
called_computation_lowered:
.L_overlay_start_0:
0x0: {  	s2 =	sld [smem:$0x3FD9]  }
0x1: {  	s3 =	sld [smem:$0x3FFE];
	_ =	sdelay $0x1  }
0x2: {  	s1 =	srdreg.scid  }
0x3: {  	s0 =	sand.u32 $0x1, s1  }
0x4: {  	s16 =	sshll.u32 s0, $0xA;
	s2 =	sadd.s32 s3, s2  }
0x5: {  	s2 =	sadd.s32 s2, s16  }
0x6: {  	[smem:$0x3FC6] =	sst s2  }
0x7: {  	_ = 	snop  }
0x8: {  	s2 =	sld [smem:$0x3FD0];
	_ =	sdelay $0x2  }
0x9: {  	s17 =	simm.s32 $0xA;
	s4 =	simm.s32 $0x10  }
0xa: {  	[smem:s4], [sflag:s17] =	dma.local [hbm:s2], $0x1  }
0xb: {  	_ =	swait.eq [sflag:s17], $0x1  }
0xc: {  	[sflag:s17] =	ssyncset.done $0x0  }
0xd: {  	s18 =	sld [smem:$0x10];
	[sflag:s17] =	ssyncadd.s32 $0xFFFFFFFF  }
0xe: {  	s19 =	sld [smem:$0x11];
	(tm) =	ssettm $0x1  }
0xf: {  	s20 =	sld [smem:$0x3FFB];
	_ =	sdelay $0x3  }
0x10: {  	_ =	strace s20  }
0x11: {  	s4 =	sld [smem:$0x3FFC];
	_ =	sdelay $0x3  }
0x12: {  	_ =	strace s4  }
0x13: {  	s4 =	sld [smem:$0x3FFD];
	_ =	sdelay $0x3  }
0x14: {  	_ =	strace s4  }
0x15: {  	_ =	strace $0x8FFFFFFF  }
0x16: {  	s21 =	sld [smem:$0x3FDB];
	_ =	sdelay $0x1  }
0x17: {  	s5 =	simm.s32 $_scs_section_size  }
0x18: {  	s6 =	simm.s32 $_size__tile_overlayer_lowered;
	s7 =	simm.s32 $_tile_overlayer_lowered  }
0x19: {  	s24 =	simm.s32 $0x1BFF;
	s23 =	sshll.u32 s7, $0x1;
	s4 =	sadd.s32 s5, s21  }
0x1a: {  	s8 =	simm.s32 $0x0;
	s22 =	sshll.u32 s6, $0x1;
	s6 =	sadd.s32 s23, s4  }
0x1b: {  	[timem:s8], [sflag:s24] =	dma.local [hbm:s6], s22  }
0x1c: {  	_ =	swait.ge [sflag:s24], s22  }
0x1d: {  	s5 =	ssub.s32 $0x0, s22;
	[sflag:s24] =	ssyncset.done $0x0  }
0x1e: {  	[sflag:s24] =	ssyncadd.s32 s5;
	_ =	sdelay $0x1  }
0x1f: {  	s25 =	simm.s32 $0x1B8B  }
0x20: {  	_ =	swait.ge [sflag:s25], $0x1  }
0x21: {  	[sflag:s25] =	ssyncset.done $0x0  }
0x22: {  	s26 =	simm.s32 $0x1B8E;
	[sflag:s25] =	ssyncadd.s32 $0xFFFFFFFF  }
0x23: {  	s27 =	simm.s32 $execute0_lowered;
	[smem:$0x3FD2] =	sst s26  }
0x24: {  	s5 =	sshll.u32 s27, $0x1;
	_ =	strace $0x80000049;
	[dreg:$0x1] =	wrdreg $0xFFFFFFFF  }
0x25: {  	s28 =	simm.s32 $_size_execute0_lowered;
	s4 =	sadd.s32 s4, s5;
	[dreg:$0x0] =	wrdreg $0x0  }
0x26: {  	s5 =	sshll.u32 s28, $0x1;
	[dreg:$0x2] =	wrdreg s4  }
0x27: {  	[dreg:$0x3] =	wrdreg s5  }
0x28: {  	[dreg:$0x4] =	wrdreg $0xC0  }
0x29: {  	_ =	task [dreg:s8], $0x5FFFF  }
0x2a: {  	[dreg:$0x1] =	wrdreg $0xFFFFFFFF  }
0x2b: {  	[dreg:$0x0] =	wrdreg $0x60  }
0x2c: {  	[dreg:$0x2] =	wrdreg s19  }
0x2d: {  	[dreg:$0x3] =	wrdreg s18  }
0x2e: {  	[dreg:$0x4] =	wrdreg $0x9  }
0x2f: {  	_ =	task.clear_ibuf [dreg:s8], $0x5FFFF;
	_ =	strace $0x90000049  }
0x30: {  	s29 =	simm.s32 $0x9;
	_ =	strace $0x8000004B  }
0x31: {  	_ =	swait.ge [sflag:s29], $0x1  }
0x32: {  	[sflag:s29] =	ssyncadd.s32 $0xFFFFFFFF  }
0x33: {  	_ =	strace $0x9000004B  }
0x34: {  	_ =	sfence  }
0x35: {  	s30 =	sld [smem:$0x0];
	_ =	sdelay $0x2  }
0x36: {  	s31 =	sshll.u32 s1, $0xD;
	s1 =	sshrl.u32 s1, $0x2  }
0x37: {  	s3 =	sand.u32 $0x4000, s31;
	s1 =	sadd.s32 s1, s30  }
0x38: {  	s0 =	sor.u32 s3, s0;
	s1 =	sshll.u32 s1, $0x11  }
0x39: {  	s0 =	sor.u32 s1, s0  }
0x3a: {  	s0 =	sadd.s32 $0x8F2B, s0  }
0x3b: {  	[sflag:s0] =	ssyncadd.remote.s32 $0x1  }
0x3c: {  	_ =	sfence.sel $0xFFFF  }
0x3d: {  	[dreg:$0x0] =	wrdreg $0xFFFFFFFF;
	(pc) =	sbr.abs _section_cstart, $3  }
0x3e: {  	[dreg:$0x1] =	wrdreg $0xFFFFFFFF  }
0x3f: {  	_ =	task.clear_ibuf [dreg:s8], $0x2FFFF;
	_ =	strace $0x9FFFFFFF  }
0x40: {  	(tm) =	ssettm $0x7FFFFFFF  }
0x41: {  	_ =	shalt  }
tec
execute0_lowered:
.L_overlay_start_1:
0x0: {  	(tag) =	ssettag $0x1  }
0x1: {  	s0 =	srdreg.scid  }
0x2: {  	s1 =	sshll.u32 s0, $0x4  }
0x3: {  	s0 =	stileid.u32;
	s1 =	sand.u32 $0x10, s1  }
0x4: {  	s1 =	sor.u32 s0, s1  }
0x5: {  	s3 =	rddreg [dreg:$0x0];
	s2 =	sshll.u32 s1, $0x7  }
0x6: {  	s5 =	simm.s32 $0x1;
	s7 =	simm.s32 $0x2;
	s1 =	ssub.s32 $0x1000, s2  }
0x7: {  	s12 =	simm.s32 $0x0;
	s8 =	simm.s32 $0x8000;
	s4 =	sand.u32 $0xF80, s1  }
0x8: {  	s13 =	simm.s32 $0x0;
	s6 =	sshrl.u32 s1, $0xC;
	p0 =	sne.s32 s4, $0x0  }
.Ltmp0:
0x9: {  	s1 =	rddreg [dreg:$0x2];
	s5 =	simm.s32 @!p0 $0x0;
	(pc) =	sbr.rel .LBB1_1-.Ltmp0, $4  }
0xa: {  	s9 =	simm.s32 $0x0;
	s4 =	rddreg [dreg:$0x1];
	s6 =	sadd.s32 s5, s6  }
0xb: {  	_ =	strace $0x8000004A;
	s5 =	simm.s32 $0x1;
	s6 =	smul.u32 $0x32, s6  }
0xc: {  	s11 =	simm.s32 $0x0;
	s10 =	smov.u32 s2;
	[sflag:s5] =	ssyncpa.u1 $0x0  }
0xd: {  	p0 =	por $0x0, $0x0;
	[sflag:s7] =	ssyncpa.u1 $0x0;
	s7 =	sor.u32 $0x1, s6  }
.LBB1_4:
0xe: {  	s16 =	sshll.u32 s13, $0x3;
	s17 =	sand.u32 $0x78, s13  }
0xf: {  	s30 =	sand.u32 $0x7E00, s13;
	s12 =	sshll.u32 s12, $0xF;
	s16 =	sand.u32 $0xC00, s16  }
0x10: {  	[tilespmem:s15+$0x810 ss:$0x81] =	vst.msk $0xffff, v2;
	s31 =	sand.u32 $0x7, s13;
	s16 =	sor.u32 s17, s16;
	s17 =	sadd.s32 s4, s30  }
0x11: {  	[tilespmem:s15+$0x1020 ss:$0x81] =	vst.msk $0xffff, v0;
	s13 =	sshll.u32 s31, $0x12;
	s12 =	sadd.s32 s12, s17;
	s16 =	sshrl.u32 s16, $0x3  }
0x12: {  	[tilespmem:s15+$0x0 ss:$0x81] =	vst.msk $0xffff, v1;
	s13 =	sor.u32 $0x400, s13;
	s12 =	sadd.s32 s16, s12  }
0x13: {  	[hbm4b:s12+s13] =	stream.strided.scatter [tilespmem:s14], [sflag:$0x2], $0x2000, s8, s13, $0x20;
	[tilespmem:$0x8080] =	vst v63  }
.LBB1_5:
0x14: {  	s14 =	sadd.s32 $0x1, s9  }
0x15: {  	s12 =	sadd.s32 $0x1000, s10;
	s16 =	smov.u32 s10;
	p2 =	sgt.s32 s14, $0x31  }
0x16: {  	s16 =	smov.u32 @p2 s12  }
0x17: {  	s14 =	simm.s32 @p2 $0x0;
	p2 =	sgt.s32 s16, $0xFFF  }
0x18: {  	s16 =	smov.u32 @p2 s2;
	p2 =	sne.s32 s11, s7  }
.Ltmp1:
0x19: {  	p1 =	slt.u32 s11, $0x2;
	(pc) =	sbr.rel @!p2 .LBB1_6-.Ltmp1, $4  }
0x1a: {  	s15 =	simm.s32 @!p1 $0x2  }
0x1b: {  	s13 =	smov.u32 s10;
	p0 =	por !p0, !p0;
	_ =	swait.ge @!p1 [sflag:s15], $0x2000  }
0x1c: {  	s12 =	smov.u32 s9;
	[sflag:s15] =	ssyncset.done @!p1 $0x0;
	s9 =	smov.u32 s14  }
0x1d: {  	s11 =	sadd.s32 $0x1, s11;
	[sflag:s15] =	ssyncadd.s32 @!p1 $0xFFFFE000;
	s10 =	smov.u32 s16  }
.LBB1_1:
0x1e: {  	p1 =	sge.u32 s11, s6  }
0x1f: {  	s14 =	sand.u32 @!p1 $0x1FFFFFF, s9  }
0x20: {  	s15 =	smulhi.u32 @!p1 $0x4924925, s14;
	_ =	sdelay $0x1  }
0x21: {  	s15 =	smul.u32 @!p1 $0x38, s15  }
0x22: {  	s16 =	sxor.u32 @!p1 $0xFFFFFFFF, s11;
	s17 =	smul.u32 @!p1 $0x380, s10  }
0x23: {  	s31 =	sadd.s32 $0xFFFFFFFF, s11;
	s16 =	sshll.u32 @!p1 s16, $0xD;
	s14 =	ssub.s32 @!p1 s14, s15  }
0x24: {  	s15 =	sand.u32 @!p1 $0x2000, s16;
	s16 =	sadd.s32 @!p1 s3, s17;
	s14 =	sshll.u32 @!p1 s14, $0x4  }
0x25: {  	s17 =	simm.s32 @!p1 $0x1C00;
	s14 =	sadd.s32 @!p1 s14, s16;
	s16 =	simm.s32 @!p1 $0x40  }
0x26: {  	[tilespmem:s15], [sflag:$0x1] =	stream.strided.gather @!p1 [hbm4b:s14+s16], $0x2000, s17, s16, $0x38;
	[tilespmem:$0x8080] =	vst v63  }
0x27: {  	p1 =	sge.u32 s31, s6  }
.Ltmp2:
0x28: {  	_ = 	snop;
	(pc) =	sbr.rel @p1 .LBB1_5-.Ltmp2, $1  }
0x29: {  	_ =	sdelay $0x3  }
0x2a: {  	s14 =	simm.s32 $0x1  }
0x2b: {  	_ =	swait.ge [sflag:s5], $0x2000;
	s14 =	simm.s32 @!p0 $0x0  }
0x2c: {  	[sflag:s5] =	ssyncset.done $0x0;
	s15 =	sshll.u32 s14, $0xD  }
0x2d: {  	[sflag:s5] =	ssyncadd.s32 $0xFFFFE000;
	s18 =	sor.u32 $0x20, s15  }
0x2e: {  	s14 =	smul.u32 $0x8100, s14;
	v3 =	vld [tilespmem:s18+$0x10]  }
0x2f: {  	s30 =	sand.u32 $0x1, s11;
	v2 =	vld [tilespmem:s18+$0xFFFFFFF0]  }
0x30: {  	s15 =	smul.u32 $0x8100, s30;
	s14 =	sshrl.u32 s14, $0x2;
	v0 =	vld [tilespmem:s18+$0x0]  }
0x31: {  	v1 =	vld [tilespmem:s18+$0xFFFFFFE0];
	s16 =	sor.u32 $0x4000, s14  }
0x32: {  	s31 =	sshrl.u32 s15, $0x2;
	s15 =	sadd.s32 $0x0, s16  }
0x33: {  	s17 =	simm.s32 $0x4;
	s18 =	sadd.s32 $0x40, s18;
	s14 =	sor.u32 $0x4000, s31;
	[tilespmem:s15+$0x1830 ss:$0x81] =	vst.msk $0xffff, v3  }
.LBB1_3:
0x34: {  	v3 =	vld [tilespmem:s18+$0x10];
	p1 =	sne.s32 s17, $0x1FC;
	[tilespmem:s15+$0x810 ss:$0x81] =	vst.msk $0xffff, v2;
	s19 =	smov.u32 s17;
	s17 =	sadd.s32 $0x4, s17  }
.Ltmp3:
0x35: {  	v2 =	vld [tilespmem:s18+$0xFFFFFFF0];
	[tilespmem:s15+$0x1020 ss:$0x81] =	vst.msk $0xffff, v0;
	(pc) =	sbr.rel @p1 .LBB1_3-.Ltmp3, $4  }
0x36: {  	v0 =	vld [tilespmem:s18+$0x0];
	[tilespmem:s15+$0x0 ss:$0x81] =	vst.msk $0xffff, v1  }
0x37: {  	s15 =	sshra.s32 s19, $0x2;
	v1 =	vld [tilespmem:s18+$0xFFFFFFE0]  }
0x38: {  	s15 =	sadd.s32 s15, s16  }
0x39: {  	s18 =	sadd.s32 $0x40, s18;
	[tilespmem:s15+$0x1830 ss:$0x81] =	vst.msk $0xffff, v3  }
.Ltmp4:
0x3a: {  	_ = 	snop;
	(pc) =	sbr.rel .LBB1_4-.Ltmp4, $1  }
0x3b: {  	_ =	sdelay $0x3  }
.LBB1_6:
0x3c: {  	_ =	sfence.sel $0x180000  }
0x3d: {  	s2 =	simm.s32 $0x1;
	[bflag:$0x0] =	sbarrier.arrive $0xFFFF  }
0x3e: {  	s31 =	simm.s32 $0x2;
	[sflag:s2] =	ssyncpa.u1 $0x1  }
0x3f: {  	[sflag:s31] =	ssyncpa.u1 $0x1  }
0x40: {  	p0 =	sne.s32 s0, $0x0;
	_ =	strace $0x9000004A  }
0x41: {  	s0 =	sadd.s32 @!p0 $0x100000, s1;
	[bflag:$0x2] =	sbarrier.arrive $0xFFFF  }
0x42: {  	[sflag:s0] =	ssyncadd.tile.s32 @!p0 $0x1;
	_ =	shalt  }
.Lfunc_end1:
_tile_overlayer_lowered:
.L_overlay_start_2:
0x43: {  	(tag) =	ssettag $0x2  }
0x44: {  	s0 =	rddreg [dreg:$0x0];
	s2 =	stileid.u32  }
0x45: {  	s1 =	rddreg [dreg:$0x1];
	p0 =	sne.s32 s2, $0x0  }
0x46: {  	s3 =	rddreg [dreg:$0x2];
	[bflag:$0x3] =	sbarrier.arrive $0xFFFF;
	s2 =	simm.s32 @!p0 $0x1C01  }
0x47: {  	[timem:s3], [sflag:s2] =	dma.local @!p0 [hbm:s0], s1  }
0x48: {  	s0 =	simm.s32 @!p0 $0x1  }
0x49: {  	_ =	swait.ge @!p0 [sflag:s0], s1  }
0x4a: {  	s1 =	ssub.s32 @!p0 $0x0, s1;
	[sflag:s0] =	ssyncset.done @!p0 $0x0  }
0x4b: {  	[sflag:s0] =	ssyncadd.s32 @!p0 s1  }
0x4c: {  	[bflag:$0x3] =	sbarrier.arrive $0xFFFF  }
0x4d: {  	_ =	shalt  }

</sc_bundles>
